<compile_context>
chip_gen: v7x
topology: tpu7x:2x2x1
jax: 0.10.2.dev20260603
libtpu: 0.0.44.dev20260713+nightly
codegen_flags: <defaults>
</compile_context>

<pallas_src>
import functools

import jax
import jax.numpy as jnp
from jax import lax
from jax.experimental import pallas as pl
from jax.experimental.pallas import tpu as pltpu
from jax.experimental.pallas import tpu_sc as plsc

B, T, F = 256, 64, 39
NUM_COUNT = 13
N_CAT = 26
VOCAB = 100001
H = 32
N = B * T
CB = 128
NA = N // CB
AG = 8
IQ = 32


def _tc_prep(x_bf):

    def body(x_ref, o_ref):
        xf = x_ref[...]
        row = lax.broadcasted_iota(jnp.int32, (N_CAT, F), 0)
        col = lax.broadcasted_iota(jnp.int32, (N_CAT, F), 1)
        sel = (col == row + NUM_COUNT).astype(jnp.float32)
        ys = []
        for al in range(AG):
            xa = lax.slice(xf, (al * CB, 0), ((al + 1) * CB, F))
            ys.append(
                lax.dot_general(
                    sel, xa, (((1,), (1,)), ((), ())),
                    preferred_element_type=jnp.float32,
                )[:, None, :]
            )
        o_ref[...] = jnp.concatenate(ys, axis=1).astype(jnp.int32)

    return pl.pallas_call(
        body,
        grid=(NA // AG,),
        in_specs=[pl.BlockSpec((AG * CB, F), lambda g: (g, 0))],
        out_specs=pl.BlockSpec((N_CAT, AG, CB), lambda g: (0, g, 0)),
        out_shape=jax.ShapeDtypeStruct((N_CAT, NA, CB), jnp.int32),
    )(x_bf)


def _sc_cat_sum_t(tab_t, idx3):
    mesh = plsc.VectorSubcoreMesh(core_axis_name="c", subcore_axis_name="s")

    @functools.partial(
        pl.kernel,
        mesh=mesh,
        out_type=jax.ShapeDtypeStruct((H, N), jnp.float32),
        compiler_params=pltpu.CompilerParams(
            use_tc_tiling_on_sc=True, needs_layout_passes=False
        ),
        scratch_types=[
            pltpu.VMEM((VOCAB,), jnp.float32),
            pltpu.VMEM((2, IQ, CB), jnp.int32),
            pltpu.VMEM((N,), jnp.float32),
            pltpu.SemaphoreType.DMA,
            pltpu.SemaphoreType.DMA,
        ],
    )
    def k(tab_hbm, idx_hbm, out_hbm, row_v, idx_v, acc_v, sem0, sem1):
        h = lax.axis_index("s") * 2 + lax.axis_index("c")
        sems = [sem0, sem1]

        def sweep(j, first):
            cur = pltpu.async_copy(
                idx_hbm.at[j, pl.ds(0, IQ)], idx_v.at[0], sems[0]
            )
            for q in range(NA // IQ):
                cur.wait()
                if q + 1 < NA // IQ:
                    nxt = pltpu.async_copy(
                        idx_hbm.at[j, pl.ds((q + 1) * IQ, IQ)],
                        idx_v.at[(q + 1) % 2],
                        sems[(q + 1) % 2],
                    )

                def gath(r, c2):
                    nb = (q * IQ + r) * CB
                    vs = []
                    for u in range(CB // 16):
                        iv = idx_v[q % 2, r, pl.ds(u * 16, 16)]
                        vs.append(plsc.load_gather(row_v, [iv]))
                    if first:
                        for u in range(CB // 16):
                            acc_v[pl.ds(nb + u * 16, 16)] = vs[u]
                    else:
                        olds = [
                            acc_v[pl.ds(nb + u * 16, 16)]
                            for u in range(CB // 16)
                        ]
                        for u in range(CB // 16):
                            acc_v[pl.ds(nb + u * 16, 16)] = olds[u] + vs[u]
                    return c2

                lax.fori_loop(0, IQ, gath, 0)
                if q + 1 < NA // IQ:
                    cur = nxt

        pltpu.sync_copy(tab_hbm.at[0, h], row_v)
        sweep(0, True)

        def per_j(j, carry):
            pltpu.sync_copy(tab_hbm.at[j, h], row_v)
            sweep(j, False)
            return carry

        lax.fori_loop(1, N_CAT, per_j, 0)
        pltpu.sync_copy(acc_v, out_hbm.at[h])

    return k(tab_t, idx3)


def _tc_finish(x_bf, num_embeddings, cat_t):

    def body(x_ref, emb_ref, cat_ref, o_ref):
        xf = x_ref[...]
        e = emb_ref[0]
        embp = jnp.concatenate(
            [e, jnp.zeros((F - NUM_COUNT, H), jnp.float32)], axis=0
        )
        m = jnp.dot(xf, embp, preferred_element_type=jnp.float32)
        c = cat_ref[...]
        row = lax.broadcasted_iota(jnp.int32, (H, H), 0)
        col = lax.broadcasted_iota(jnp.int32, (H, H), 1)
        eye = (row == col).astype(jnp.float32)
        y = lax.dot_general(
            c, eye, (((0,), (0,)), ((), ())),
            preferred_element_type=jnp.float32,
        )
        o_ref[...] = (m + y).reshape(CB // T, T, H)

    return pl.pallas_call(
        body,
        grid=(NA,),
        in_specs=[
            pl.BlockSpec((CB, F), lambda a: (a, 0)),
            pl.BlockSpec((1, NUM_COUNT, H), lambda a: (0, 0, 0)),
            pl.BlockSpec((H, CB), lambda a: (0, a)),
        ],
        out_specs=pl.BlockSpec((CB // T, T, H), lambda a: (a, 0, 0)),
        out_shape=jax.ShapeDtypeStruct((B, T, H), jnp.float32),
    )(x_bf, num_embeddings, cat_t)


def kernel(x_bt_f, tables, num_embeddings):
    x_bf = x_bt_f.reshape(N, F)
    tab_t = tables.transpose(0, 2, 1)
    idx3 = _tc_prep(x_bf)
    cat_t = _sc_cat_sum_t(tab_t, idx3)
    return _tc_finish(x_bf, num_embeddings, cat_t)

# --- scband reference (transcript-rebuilt; emitter-appended) ---
"""Pipeline reference for scband-tracets-36936718746152 (READ-ONLY COPY).

The authoritative reference and input builder live on the scoring server;
editing this copy changes nothing except your own understanding.
"""

import jax, jax.numpy as jnp
import numpy as np
import math

B, T, F = 256, 64, 39
NUM_COUNT = 13
N_CAT = 26
VOCAB = 100001  # feature_metadata size 100000 -> nn.Embedding(size+1, padding_idx=0)
H = 32


def setup_inputs(seed: int = 0) -> dict:
    key = jax.random.key(seed)
    k1, k2, k3 = jax.random.split(key, 3)
    # mixed tensor: first 13 cols treated as continuous, last 26 as categorical indices
    x_bt_f = jax.random.randint(k1, (B, T, F), 0, 100000).astype(jnp.float32)
    # kaiming_uniform for embedding weights [V, H]: fan_in = H, gain = sqrt(2)
    bound = math.sqrt(3.0) * math.sqrt(2.0) / math.sqrt(H)
    tables = jax.random.uniform(k2, (N_CAT, VOCAB, H), minval=-bound, maxval=bound, dtype=jnp.float32)
    # self.num_embeddings = nn.Parameter(torch.rand(1, numerical_count, hidden_size))
    num_embeddings = jax.random.uniform(k3, (1, NUM_COUNT, H), dtype=jnp.float32)
    return {"x_bt_f": x_bt_f, "tables": tables, "num_embeddings": num_embeddings}


def reference(x_bt_f, tables, num_embeddings):
    B_, T_, F_ = x_bt_f.shape
    x_bf = x_bt_f.reshape(B_ * T_, F_)
    # separate_features_by_index: num_indices = [0..12], rest categorical
    x_num = x_bf[:, :NUM_COUNT].astype(jnp.float32)
    x_cat = x_bf[:, NUM_COUNT:].astype(jnp.int32)
    # tokenize_input + calc_embeddings: per-field embedding lookup, token shape [N,1] -> emb [N,1,H]
    emb_list = [jnp.take(tables[j], x_cat[:, j], axis=0)[:, None, :] for j in range(N_CAT)]
    x_tok = jnp.concatenate(emb_list, axis=1)  # [N, 26, H]
    # num_mode == 'embed'
    N = x_bf.shape[0]
    num_emb = jnp.broadcast_to(num_embeddings, (N, NUM_COUNT, H))
    x_num_exp = jnp.broadcast_to(x_num[:, :, None], (N, NUM_COUNT, H))
    x_tok = jnp.concatenate((x_num_exp * num_emb, x_tok), axis=1)  # [N, 39, H]
    # pool over token axis and restore [B, T, H] (per module docstring)
    h = x_tok.sum(axis=1).reshape(B_, T_, H)
    return h


if False:  # reference __main__ guard neutralized (emitter)
    out = reference(**setup_inputs())
    print(out.shape)

if __name__ == "__main__":
    import jax
    _d = setup_inputs()
    print(jax.jit(kernel)(*tuple(_d.values())))

</pallas_src>

<mosaic_0001>
#map = affine_map<(d0, d1) -> (0, 0, 0)>
#map1 = affine_map<(d0, d1) -> (0, 0)>
module attributes {stable_mosaic.version = 14 : i64} {
  func.func @k(%arg0: i32, %arg1: i32, %arg2: memref<26x32x100001xf32, #tpu.memory_space<hbm>>, %arg3: memref<26x128x128xi32, #tpu.memory_space<hbm>>, %arg4: memref<32x16384xf32, #tpu.memory_space<hbm>>, %arg5: memref<100001xf32, #tpu.memory_space<vmem>>, %arg6: memref<2x32x128xi32, #tpu.memory_space<vmem>>, %arg7: memref<16384xf32, #tpu.memory_space<vmem>>, %arg8: memref<!tpu.dma_semaphore, #tpu.memory_space<semaphore_mem>>, %arg9: memref<!tpu.dma_semaphore, #tpu.memory_space<semaphore_mem>>) attributes {dimension_semantics = [#tpu.dimension_semantics<core_parallel>, #tpu.dimension_semantics<subcore_parallel>], iteration_bounds = array<i64: 2, 16>, scalar_prefetch = 0 : i64, scratch_operands = 5 : i64, tpu.core_type = #tpu.core_type<sc_vector_subcore>, window_params = [{transform_indices = #map}, {transform_indices = #map}, {transform_indices = #map1}]} {
    %mul3A = arith.constant 2 : i32
    %mul3A_0 = arith.muli %arg1, %mul3A : i32
    %add3A = arith.addi %mul3A_0, %arg0 : i32
    %run_scoped3A = arith.constant 0 : i32
    "tpu.region"() ({
      %run_scoped3A_172 = tpu.sem_alloc : memref<!tpu.dma_semaphore, #tpu.memory_space<semaphore_mem>>
      %dma_start3A_173 = arith.constant 0 : i32
      %dma_start3A_174 = tpu.memref_slice %arg2[%run_scoped3A, %add3A, %dma_start3A_173] : memref<26x32x100001xf32, #tpu.memory_space<hbm>> -> memref<1x1x100001xf32, #tpu.memory_space<hbm>>
      %dma_start3A_175 = tpu.memref_squeeze %dma_start3A_174 : memref<1x1x100001xf32, #tpu.memory_space<hbm>> -> memref<100001xf32, #tpu.memory_space<hbm>>
      %dma_start3A_176 = arith.constant 0 : i32
      %dma_start3A_177 = tpu.memref_slice %arg2[%run_scoped3A, %add3A, %dma_start3A_176] : memref<26x32x100001xf32, #tpu.memory_space<hbm>> -> memref<1x1x100001xf32, #tpu.memory_space<hbm>>
      %dma_start3A_178 = tpu.memref_squeeze %dma_start3A_177 : memref<1x1x100001xf32, #tpu.memory_space<hbm>> -> memref<100001xf32, #tpu.memory_space<hbm>>
      tpu.enqueue_dma source(%dma_start3A_178 : memref<100001xf32, #tpu.memory_space<hbm>>) target(%arg5 : memref<100001xf32, #tpu.memory_space<vmem>>) target_semaphore(%run_scoped3A_172 : memref<!tpu.dma_semaphore, #tpu.memory_space<semaphore_mem>>)
      %dma_wait3A_179 = arith.constant 0 : i32
      %dma_wait3A_180 = tpu.memref_slice %arg2[%run_scoped3A, %add3A, %dma_wait3A_179] : memref<26x32x100001xf32, #tpu.memory_space<hbm>> -> memref<1x1x100001xf32, #tpu.memory_space<hbm>>
      %dma_wait3A_181 = tpu.memref_squeeze %dma_wait3A_180 : memref<1x1x100001xf32, #tpu.memory_space<hbm>> -> memref<100001xf32, #tpu.memory_space<hbm>>
      %dma_wait3A_182 = arith.constant 0 : i32
      %dma_wait3A_183 = tpu.memref_slice %arg2[%run_scoped3A, %add3A, %dma_wait3A_182] : memref<26x32x100001xf32, #tpu.memory_space<hbm>> -> memref<1x1x100001xf32, #tpu.memory_space<hbm>>
      %dma_wait3A_184 = tpu.memref_squeeze %dma_wait3A_183 : memref<1x1x100001xf32, #tpu.memory_space<hbm>> -> memref<100001xf32, #tpu.memory_space<hbm>>
      tpu.wait_dma2 semaphore(%run_scoped3A_172 : memref<!tpu.dma_semaphore, #tpu.memory_space<semaphore_mem>>) src(%dma_wait3A_184 : memref<100001xf32, #tpu.memory_space<hbm>>) dst(%arg5 : memref<100001xf32, #tpu.memory_space<vmem>>)
      tpu.yield
    }) : () -> ()
    %dma_start3A = arith.constant 0 : i32
    %dma_start3A_1 = arith.constant 0 : i32
    %dma_start3A_2 = arith.constant 0 : i32
    %dma_start3A_3 = arith.constant 0 : i32
    %dma_start3A_4 = tpu.memref_slice %arg6[%dma_start3A_1, %dma_start3A_2, %dma_start3A_3] : memref<2x32x128xi32, #tpu.memory_space<vmem>> -> memref<1x32x128xi32, #tpu.memory_space<vmem>>
    %dma_start3A_5 = tpu.memref_squeeze %dma_start3A_4 : memref<1x32x128xi32, #tpu.memory_space<vmem>> -> memref<32x128xi32, #tpu.memory_space<vmem>>
    %dma_start3A_6 = arith.constant 0 : i32
    %dma_start3A_7 = arith.constant 0 : i32
    %dma_start3A_8 = tpu.memref_slice %arg3[%dma_start3A, %dma_start3A_6, %dma_start3A_7] : memref<26x128x128xi32, #tpu.memory_space<hbm>> -> memref<1x32x128xi32, #tpu.memory_space<hbm>>
    %dma_start3A_9 = tpu.memref_squeeze %dma_start3A_8 : memref<1x32x128xi32, #tpu.memory_space<hbm>> -> memref<32x128xi32, #tpu.memory_space<hbm>>
    %dma_start3A_10 = arith.constant 0 : i32
    %dma_start3A_11 = arith.constant 0 : i32
    %dma_start3A_12 = tpu.memref_slice %arg6[%dma_start3A_1, %dma_start3A_10, %dma_start3A_11] : memref<2x32x128xi32, #tpu.memory_space<vmem>> -> memref<1x32x128xi32, #tpu.memory_space<vmem>>
    %dma_start3A_13 = tpu.memref_squeeze %dma_start3A_12 : memref<1x32x128xi32, #tpu.memory_space<vmem>> -> memref<32x128xi32, #tpu.memory_space<vmem>>
    %dma_start3A_14 = arith.constant 0 : i32
    %dma_start3A_15 = arith.constant 0 : i32
    %dma_start3A_16 = tpu.memref_slice %arg3[%dma_start3A, %dma_start3A_14, %dma_start3A_15] : memref<26x128x128xi32, #tpu.memory_space<hbm>> -> memref<1x32x128xi32, #tpu.memory_space<hbm>>
    %dma_start3A_17 = tpu.memref_squeeze %dma_start3A_16 : memref<1x32x128xi32, #tpu.memory_space<hbm>> -> memref<32x128xi32, #tpu.memory_space<hbm>>
    tpu.enqueue_dma source(%dma_start3A_17 : memref<32x128xi32, #tpu.memory_space<hbm>>) target(%dma_start3A_13 : memref<32x128xi32, #tpu.memory_space<vmem>>) target_semaphore(%arg8 : memref<!tpu.dma_semaphore, #tpu.memory_space<semaphore_mem>>)
    %dma_wait3A = arith.constant 0 : i32
    %dma_wait3A_18 = arith.constant 0 : i32
    %dma_wait3A_19 = arith.constant 0 : i32
    %dma_wait3A_20 = arith.constant 0 : i32
    %dma_wait3A_21 = tpu.memref_slice %arg6[%dma_wait3A_18, %dma_wait3A_19, %dma_wait3A_20] : memref<2x32x128xi32, #tpu.memory_space<vmem>> -> memref<1x32x128xi32, #tpu.memory_space<vmem>>
    %dma_wait3A_22 = tpu.memref_squeeze %dma_wait3A_21 : memref<1x32x128xi32, #tpu.memory_space<vmem>> -> memref<32x128xi32, #tpu.memory_space<vmem>>
    %dma_wait3A_23 = arith.constant 0 : i32
    %dma_wait3A_24 = arith.constant 0 : i32
    %dma_wait3A_25 = tpu.memref_slice %arg3[%dma_wait3A, %dma_wait3A_23, %dma_wait3A_24] : memref<26x128x128xi32, #tpu.memory_space<hbm>> -> memref<1x32x128xi32, #tpu.memory_space<hbm>>
    %dma_wait3A_26 = tpu.memref_squeeze %dma_wait3A_25 : memref<1x32x128xi32, #tpu.memory_space<hbm>> -> memref<32x128xi32, #tpu.memory_space<hbm>>
    %dma_wait3A_27 = arith.constant 0 : i32
    %dma_wait3A_28 = arith.constant 0 : i32
    %dma_wait3A_29 = tpu.memref_slice %arg6[%dma_wait3A_18, %dma_wait3A_27, %dma_wait3A_28] : memref<2x32x128xi32, #tpu.memory_space<vmem>> -> memref<1x32x128xi32, #tpu.memory_space<vmem>>
    %dma_wait3A_30 = tpu.memref_squeeze %dma_wait3A_29 : memref<1x32x128xi32, #tpu.memory_space<vmem>> -> memref<32x128xi32, #tpu.memory_space<vmem>>
    %dma_wait3A_31 = arith.constant 0 : i32
    %dma_wait3A_32 = arith.constant 0 : i32
    %dma_wait3A_33 = tpu.memref_slice %arg3[%dma_wait3A, %dma_wait3A_31, %dma_wait3A_32] : memref<26x128x128xi32, #tpu.memory_space<hbm>> -> memref<1x32x128xi32, #tpu.memory_space<hbm>>
    %dma_wait3A_34 = tpu.memref_squeeze %dma_wait3A_33 : memref<1x32x128xi32, #tpu.memory_space<hbm>> -> memref<32x128xi32, #tpu.memory_space<hbm>>
    tpu.wait_dma2 semaphore(%arg8 : memref<!tpu.dma_semaphore, #tpu.memory_space<semaphore_mem>>) src(%dma_wait3A_34 : memref<32x128xi32, #tpu.memory_space<hbm>>) dst(%dma_wait3A_30 : memref<32x128xi32, #tpu.memory_space<vmem>>)
    %dma_start3A_35 = arith.constant 0 : i32
    %dma_start3A_36 = arith.constant 1 : i32
    %dma_start3A_37 = arith.constant 0 : i32
    %dma_start3A_38 = arith.constant 0 : i32
    %dma_start3A_39 = tpu.memref_slice %arg6[%dma_start3A_36, %dma_start3A_37, %dma_start3A_38] : memref<2x32x128xi32, #tpu.memory_space<vmem>> -> memref<1x32x128xi32, #tpu.memory_space<vmem>>
    %dma_start3A_40 = tpu.memref_squeeze %dma_start3A_39 : memref<1x32x128xi32, #tpu.memory_space<vmem>> -> memref<32x128xi32, #tpu.memory_space<vmem>>
    %dma_start3A_41 = arith.constant 32 : i32
    %dma_start3A_42 = arith.constant 0 : i32
    %dma_start3A_43 = tpu.memref_slice %arg3[%dma_start3A_35, %dma_start3A_41, %dma_start3A_42] : memref<26x128x128xi32, #tpu.memory_space<hbm>> -> memref<1x32x128xi32, #tpu.memory_space<hbm>>
    %dma_start3A_44 = tpu.memref_squeeze %dma_start3A_43 : memref<1x32x128xi32, #tpu.memory_space<hbm>> -> memref<32x128xi32, #tpu.memory_space<hbm>>
    %dma_start3A_45 = arith.constant 0 : i32
    %dma_start3A_46 = arith.constant 0 : i32
    %dma_start3A_47 = tpu.memref_slice %arg6[%dma_start3A_36, %dma_start3A_45, %dma_start3A_46] : memref<2x32x128xi32, #tpu.memory_space<vmem>> -> memref<1x32x128xi32, #tpu.memory_space<vmem>>
    %dma_start3A_48 = tpu.memref_squeeze %dma_start3A_47 : memref<1x32x128xi32, #tpu.memory_space<vmem>> -> memref<32x128xi32, #tpu.memory_space<vmem>>
    %dma_start3A_49 = arith.constant 32 : i32
    %dma_start3A_50 = arith.constant 0 : i32
    %dma_start3A_51 = tpu.memref_slice %arg3[%dma_start3A_35, %dma_start3A_49, %dma_start3A_50] : memref<26x128x128xi32, #tpu.memory_space<hbm>> -> memref<1x32x128xi32, #tpu.memory_space<hbm>>
    %dma_start3A_52 = tpu.memref_squeeze %dma_start3A_51 : memref<1x32x128xi32, #tpu.memory_space<hbm>> -> memref<32x128xi32, #tpu.memory_space<hbm>>
    tpu.enqueue_dma source(%dma_start3A_52 : memref<32x128xi32, #tpu.memory_space<hbm>>) target(%dma_start3A_48 : memref<32x128xi32, #tpu.memory_space<vmem>>) target_semaphore(%arg9 : memref<!tpu.dma_semaphore, #tpu.memory_space<semaphore_mem>>)
    %scan3A = arith.constant 0 : i32
    %scan3A_53 = arith.constant 0 : i32
    %scan3A_54 = arith.constant 32 : i32
    %scan3A_55 = arith.addi %scan3A_53, %scan3A_54 : i32
    %scan3A_56 = arith.constant 1 : i32
    scf.for %scan3A_172 = %scan3A_53 to %scan3A_55 step %scan3A_56  : i32 {
      %add3A_173 = arith.constant 0 : i32
      %add3A_174 = arith.addi %add3A_173, %scan3A_172 : i32
      %mul3A_175 = arith.constant 128 : i32
      %mul3A_176 = arith.muli %add3A_174, %mul3A_175 : i32
      %get3A = arith.constant 0 : i32
      %get3A_177 = arith.index_cast %get3A : i32 to index
      %get3A_178 = arith.index_cast %scan3A_172 : i32 to index
      %get3A_179 = arith.constant 0 : index
      %get3A_180 = tpu.vector_load %arg6[%get3A_177, %get3A_178, %get3A_179] {strides = array<i32>} : memref<2x32x128xi32, #tpu.memory_space<vmem>>, vector<16xi32>,
      %gather3A = tpu.vector_load_idx %arg5[%get3A_180] : memref<100001xf32, #tpu.memory_space<vmem>>[vector<16xi32>], vector<16xf32>,
      %get3A_181 = arith.constant 0 : i32
      %get3A_182 = arith.index_cast %get3A_181 : i32 to index
      %get3A_183 = arith.index_cast %scan3A_172 : i32 to index
      %get3A_184 = arith.constant 16 : index
      %get3A_185 = tpu.vector_load %arg6[%get3A_182, %get3A_183, %get3A_184] {strides = array<i32>} : memref<2x32x128xi32, #tpu.memory_space<vmem>>, vector<16xi32>,
      %gather3A_186 = tpu.vector_load_idx %arg5[%get3A_185] : memref<100001xf32, #tpu.memory_space<vmem>>[vector<16xi32>], vector<16xf32>,
      %get3A_187 = arith.constant 0 : i32
      %get3A_188 = arith.index_cast %get3A_187 : i32 to index
      %get3A_189 = arith.index_cast %scan3A_172 : i32 to index
      %get3A_190 = arith.constant 32 : index
      %get3A_191 = tpu.vector_load %arg6[%get3A_188, %get3A_189, %get3A_190] {strides = array<i32>} : memref<2x32x128xi32, #tpu.memory_space<vmem>>, vector<16xi32>,
      %gather3A_192 = tpu.vector_load_idx %arg5[%get3A_191] : memref<100001xf32, #tpu.memory_space<vmem>>[vector<16xi32>], vector<16xf32>,
      %get3A_193 = arith.constant 0 : i32
      %get3A_194 = arith.index_cast %get3A_193 : i32 to index
      %get3A_195 = arith.index_cast %scan3A_172 : i32 to index
      %get3A_196 = arith.constant 48 : index
      %get3A_197 = tpu.vector_load %arg6[%get3A_194, %get3A_195, %get3A_196] {strides = array<i32>} : memref<2x32x128xi32, #tpu.memory_space<vmem>>, vector<16xi32>,
      %gather3A_198 = tpu.vector_load_idx %arg5[%get3A_197] : memref<100001xf32, #tpu.memory_space<vmem>>[vector<16xi32>], vector<16xf32>,
      %get3A_199 = arith.constant 0 : i32
      %get3A_200 = arith.index_cast %get3A_199 : i32 to index
      %get3A_201 = arith.index_cast %scan3A_172 : i32 to index
      %get3A_202 = arith.constant 64 : index
      %get3A_203 = tpu.vector_load %arg6[%get3A_200, %get3A_201, %get3A_202] {strides = array<i32>} : memref<2x32x128xi32, #tpu.memory_space<vmem>>, vector<16xi32>,
      %gather3A_204 = tpu.vector_load_idx %arg5[%get3A_203] : memref<100001xf32, #tpu.memory_space<vmem>>[vector<16xi32>], vector<16xf32>,
      %get3A_205 = arith.constant 0 : i32
      %get3A_206 = arith.index_cast %get3A_205 : i32 to index
      %get3A_207 = arith.index_cast %scan3A_172 : i32 to index
      %get3A_208 = arith.constant 80 : index
      %get3A_209 = tpu.vector_load %arg6[%get3A_206, %get3A_207, %get3A_208] {strides = array<i32>} : memref<2x32x128xi32, #tpu.memory_space<vmem>>, vector<16xi32>,
      %gather3A_210 = tpu.vector_load_idx %arg5[%get3A_209] : memref<100001xf32, #tpu.memory_space<vmem>>[vector<16xi32>], vector<16xf32>,
      %get3A_211 = arith.constant 0 : i32
      %get3A_212 = arith.index_cast %get3A_211 : i32 to index
      %get3A_213 = arith.index_cast %scan3A_172 : i32 to index
      %get3A_214 = arith.constant 96 : index
      %get3A_215 = tpu.vector_load %arg6[%get3A_212, %get3A_213, %get3A_214] {strides = array<i32>} : memref<2x32x128xi32, #tpu.memory_space<vmem>>, vector<16xi32>,
      %gather3A_216 = tpu.vector_load_idx %arg5[%get3A_215] : memref<100001xf32, #tpu.memory_space<vmem>>[vector<16xi32>], vector<16xf32>,
      %get3A_217 = arith.constant 0 : i32
      %get3A_218 = arith.index_cast %get3A_217 : i32 to index
      %get3A_219 = arith.index_cast %scan3A_172 : i32 to index
      %get3A_220 = arith.constant 112 : index
      %get3A_221 = tpu.vector_load %arg6[%get3A_218, %get3A_219, %get3A_220] {strides = array<i32>} : memref<2x32x128xi32, #tpu.memory_space<vmem>>, vector<16xi32>,
      %gather3A_222 = tpu.vector_load_idx %arg5[%get3A_221] : memref<100001xf32, #tpu.memory_space<vmem>>[vector<16xi32>], vector<16xf32>,
      %add3A_223 = arith.constant 0 : i32
      %add3A_224 = arith.addi %mul3A_176, %add3A_223 : i32
      %swap3A = arith.index_cast %add3A_224 : i32 to index
      %swap3A_225 = tpu.vector_load %arg7[%swap3A] {strides = array<i32>} : memref<16384xf32, #tpu.memory_space<vmem>>, vector<16xf32>,
      tpu.vector_store %arg7[%swap3A], %gather3A {strides = array<i32>} : memref<16384xf32, #tpu.memory_space<vmem>>, vector<16xf32>,
      %add3A_226 = arith.constant 16 : i32
      %add3A_227 = arith.addi %mul3A_176, %add3A_226 : i32
      %swap3A_228 = arith.index_cast %add3A_227 : i32 to index
      %swap3A_229 = tpu.vector_load %arg7[%swap3A_228] {strides = array<i32>} : memref<16384xf32, #tpu.memory_space<vmem>>, vector<16xf32>,
      tpu.vector_store %arg7[%swap3A_228], %gather3A_186 {strides = array<i32>} : memref<16384xf32, #tpu.memory_space<vmem>>, vector<16xf32>,
      %add3A_230 = arith.constant 32 : i32
      %add3A_231 = arith.addi %mul3A_176, %add3A_230 : i32
      %swap3A_232 = arith.index_cast %add3A_231 : i32 to index
      %swap3A_233 = tpu.vector_load %arg7[%swap3A_232] {strides = array<i32>} : memref<16384xf32, #tpu.memory_space<vmem>>, vector<16xf32>,
      tpu.vector_store %arg7[%swap3A_232], %gather3A_192 {strides = array<i32>} : memref<16384xf32, #tpu.memory_space<vmem>>, vector<16xf32>,
      %add3A_234 = arith.constant 48 : i32
      %add3A_235 = arith.addi %mul3A_176, %add3A_234 : i32
      %swap3A_236 = arith.index_cast %add3A_235 : i32 to index
      %swap3A_237 = tpu.vector_load %arg7[%swap3A_236] {strides = array<i32>} : memref<16384xf32, #tpu.memory_space<vmem>>, vector<16xf32>,
      tpu.vector_store %arg7[%swap3A_236], %gather3A_198 {strides = array<i32>} : memref<16384xf32, #tpu.memory_space<vmem>>, vector<16xf32>,
      %add3A_238 = arith.constant 64 : i32
      %add3A_239 = arith.addi %mul3A_176, %add3A_238 : i32
      %swap3A_240 = arith.index_cast %add3A_239 : i32 to index
      %swap3A_241 = tpu.vector_load %arg7[%swap3A_240] {strides = array<i32>} : memref<16384xf32, #tpu.memory_space<vmem>>, vector<16xf32>,
      tpu.vector_store %arg7[%swap3A_240], %gather3A_204 {strides = array<i32>} : memref<16384xf32, #tpu.memory_space<vmem>>, vector<16xf32>,
      %add3A_242 = arith.constant 80 : i32
      %add3A_243 = arith.addi %mul3A_176, %add3A_242 : i32
      %swap3A_244 = arith.index_cast %add3A_243 : i32 to index
      %swap3A_245 = tpu.vector_load %arg7[%swap3A_244] {strides = array<i32>} : memref<16384xf32, #tpu.memory_space<vmem>>, vector<16xf32>,
      tpu.vector_store %arg7[%swap3A_244], %gather3A_210 {strides = array<i32>} : memref<16384xf32, #tpu.memory_space<vmem>>, vector<16xf32>,
      %add3A_246 = arith.constant 96 : i32
      %add3A_247 = arith.addi %mul3A_176, %add3A_246 : i32
      %swap3A_248 = arith.index_cast %add3A_247 : i32 to index
      %swap3A_249 = tpu.vector_load %arg7[%swap3A_248] {strides = array<i32>} : memref<16384xf32, #tpu.memory_space<vmem>>, vector<16xf32>,
      tpu.vector_store %arg7[%swap3A_248], %gather3A_216 {strides = array<i32>} : memref<16384xf32, #tpu.memory_space<vmem>>, vector<16xf32>,
      %add3A_250 = arith.constant 112 : i32
      %add3A_251 = arith.addi %mul3A_176, %add3A_250 : i32
      %swap3A_252 = arith.index_cast %add3A_251 : i32 to index
      %swap3A_253 = tpu.vector_load %arg7[%swap3A_252] {strides = array<i32>} : memref<16384xf32, #tpu.memory_space<vmem>>, vector<16xf32>,
      tpu.vector_store %arg7[%swap3A_252], %gather3A_222 {strides = array<i32>} : memref<16384xf32, #tpu.memory_space<vmem>>, vector<16xf32>,
    }
    %scan3A_57 = arith.constant 32 : i32
    %dma_wait3A_58 = arith.constant 0 : i32
    %dma_wait3A_59 = arith.constant 1 : i32
    %dma_wait3A_60 = arith.constant 0 : i32
    %dma_wait3A_61 = arith.constant 0 : i32
    %dma_wait3A_62 = tpu.memref_slice %arg6[%dma_wait3A_59, %dma_wait3A_60, %dma_wait3A_61] : memref<2x32x128xi32, #tpu.memory_space<vmem>> -> memref<1x32x128xi32, #tpu.memory_space<vmem>>
    %dma_wait3A_63 = tpu.memref_squeeze %dma_wait3A_62 : memref<1x32x128xi32, #tpu.memory_space<vmem>> -> memref<32x128xi32, #tpu.memory_space<vmem>>
    %dma_wait3A_64 = arith.constant 32 : i32
    %dma_wait3A_65 = arith.constant 0 : i32
    %dma_wait3A_66 = tpu.memref_slice %arg3[%dma_wait3A_58, %dma_wait3A_64, %dma_wait3A_65] : memref<26x128x128xi32, #tpu.memory_space<hbm>> -> memref<1x32x128xi32, #tpu.memory_space<hbm>>
    %dma_wait3A_67 = tpu.memref_squeeze %dma_wait3A_66 : memref<1x32x128xi32, #tpu.memory_space<hbm>> -> memref<32x128xi32, #tpu.memory_space<hbm>>
    %dma_wait3A_68 = arith.constant 0 : i32
    %dma_wait3A_69 = arith.constant 0 : i32
    %dma_wait3A_70 = tpu.memref_slice %arg6[%dma_wait3A_59, %dma_wait3A_68, %dma_wait3A_69] : memref<2x32x128xi32, #tpu.memory_space<vmem>> -> memref<1x32x128xi32, #tpu.memory_space<vmem>>
    %dma_wait3A_71 = tpu.memref_squeeze %dma_wait3A_70 : memref<1x32x128xi32, #tpu.memory_space<vmem>> -> memref<32x128xi32, #tpu.memory_space<vmem>>
    %dma_wait3A_72 = arith.constant 32 : i32
    %dma_wait3A_73 = arith.constant 0 : i32
    %dma_wait3A_74 = tpu.memref_slice %arg3[%dma_wait3A_58, %dma_wait3A_72, %dma_wait3A_73] : memref<26x128x128xi32, #tpu.memory_space<hbm>> -> memref<1x32x128xi32, #tpu.memory_space<hbm>>
    %dma_wait3A_75 = tpu.memref_squeeze %dma_wait3A_74 : memref<1x32x128xi32, #tpu.memory_space<hbm>> -> memref<32x128xi32, #tpu.memory_space<hbm>>
    tpu.wait_dma2 semaphore(%arg9 : memref<!tpu.dma_semaphore, #tpu.memory_space<semaphore_mem>>) src(%dma_wait3A_75 : memref<32x128xi32, #tpu.memory_space<hbm>>) dst(%dma_wait3A_71 : memref<32x128xi32, #tpu.memory_space<vmem>>)
    %dma_start3A_76 = arith.constant 0 : i32
    %dma_start3A_77 = arith.constant 0 : i32
    %dma_start3A_78 = arith.constant 0 : i32
    %dma_start3A_79 = arith.constant 0 : i32
    %dma_start3A_80 = tpu.memref_slice %arg6[%dma_start3A_77, %dma_start3A_78, %dma_start3A_79] : memref<2x32x128xi32, #tpu.memory_space<vmem>> -> memref<1x32x128xi32, #tpu.memory_space<vmem>>
    %dma_start3A_81 = tpu.memref_squeeze %dma_start3A_80 : memref<1x32x128xi32, #tpu.memory_space<vmem>> -> memref<32x128xi32, #tpu.memory_space<vmem>>
    %dma_start3A_82 = arith.constant 64 : i32
    %dma_start3A_83 = arith.constant 0 : i32
    %dma_start3A_84 = tpu.memref_slice %arg3[%dma_start3A_76, %dma_start3A_82, %dma_start3A_83] : memref<26x128x128xi32, #tpu.memory_space<hbm>> -> memref<1x32x128xi32, #tpu.memory_space<hbm>>
    %dma_start3A_85 = tpu.memref_squeeze %dma_start3A_84 : memref<1x32x128xi32, #tpu.memory_space<hbm>> -> memref<32x128xi32, #tpu.memory_space<hbm>>
    %dma_start3A_86 = arith.constant 0 : i32
    %dma_start3A_87 = arith.constant 0 : i32
    %dma_start3A_88 = tpu.memref_slice %arg6[%dma_start3A_77, %dma_start3A_86, %dma_start3A_87] : memref<2x32x128xi32, #tpu.memory_space<vmem>> -> memref<1x32x128xi32, #tpu.memory_space<vmem>>
    %dma_start3A_89 = tpu.memref_squeeze %dma_start3A_88 : memref<1x32x128xi32, #tpu.memory_space<vmem>> -> memref<32x128xi32, #tpu.memory_space<vmem>>
    %dma_start3A_90 = arith.constant 64 : i32
    %dma_start3A_91 = arith.constant 0 : i32
    %dma_start3A_92 = tpu.memref_slice %arg3[%dma_start3A_76, %dma_start3A_90, %dma_start3A_91] : memref<26x128x128xi32, #tpu.memory_space<hbm>> -> memref<1x32x128xi32, #tpu.memory_space<hbm>>
    %dma_start3A_93 = tpu.memref_squeeze %dma_start3A_92 : memref<1x32x128xi32, #tpu.memory_space<hbm>> -> memref<32x128xi32, #tpu.memory_space<hbm>>
    tpu.enqueue_dma source(%dma_start3A_93 : memref<32x128xi32, #tpu.memory_space<hbm>>) target(%dma_start3A_89 : memref<32x128xi32, #tpu.memory_space<vmem>>) target_semaphore(%arg8 : memref<!tpu.dma_semaphore, #tpu.memory_space<semaphore_mem>>)
    %scan3A_94 = arith.constant 0 : i32
    %scan3A_95 = arith.constant 0 : i32
    %scan3A_96 = arith.constant 32 : i32
    %scan3A_97 = arith.addi %scan3A_95, %scan3A_96 : i32
    %scan3A_98 = arith.constant 1 : i32
    scf.for %scan3A_172 = %scan3A_95 to %scan3A_97 step %scan3A_98  : i32 {
      %add3A_173 = arith.constant 32 : i32
      %add3A_174 = arith.addi %add3A_173, %scan3A_172 : i32
      %mul3A_175 = arith.constant 128 : i32
      %mul3A_176 = arith.muli %add3A_174, %mul3A_175 : i32
      %get3A = arith.constant 1 : i32
      %get3A_177 = arith.index_cast %get3A : i32 to index
      %get3A_178 = arith.index_cast %scan3A_172 : i32 to index
      %get3A_179 = arith.constant 0 : index
      %get3A_180 = tpu.vector_load %arg6[%get3A_177, %get3A_178, %get3A_179] {strides = array<i32>} : memref<2x32x128xi32, #tpu.memory_space<vmem>>, vector<16xi32>,
      %gather3A = tpu.vector_load_idx %arg5[%get3A_180] : memref<100001xf32, #tpu.memory_space<vmem>>[vector<16xi32>], vector<16xf32>,
      %get3A_181 = arith.constant 1 : i32
      %get3A_182 = arith.index_cast %get3A_181 : i32 to index
      %get3A_183 = arith.index_cast %scan3A_172 : i32 to index
      %get3A_184 = arith.constant 16 : index
      %get3A_185 = tpu.vector_load %arg6[%get3A_182, %get3A_183, %get3A_184] {strides = array<i32>} : memref<2x32x128xi32, #tpu.memory_space<vmem>>, vector<16xi32>,
      %gather3A_186 = tpu.vector_load_idx %arg5[%get3A_185] : memref<100001xf32, #tpu.memory_space<vmem>>[vector<16xi32>], vector<16xf32>,
      %get3A_187 = arith.constant 1 : i32
      %get3A_188 = arith.index_cast %get3A_187 : i32 to index
      %get3A_189 = arith.index_cast %scan3A_172 : i32 to index
      %get3A_190 = arith.constant 32 : index
      %get3A_191 = tpu.vector_load %arg6[%get3A_188, %get3A_189, %get3A_190] {strides = array<i32>} : memref<2x32x128xi32, #tpu.memory_space<vmem>>, vector<16xi32>,
      %gather3A_192 = tpu.vector_load_idx %arg5[%get3A_191] : memref<100001xf32, #tpu.memory_space<vmem>>[vector<16xi32>], vector<16xf32>,
      %get3A_193 = arith.constant 1 : i32
      %get3A_194 = arith.index_cast %get3A_193 : i32 to index
      %get3A_195 = arith.index_cast %scan3A_172 : i32 to index
      %get3A_196 = arith.constant 48 : index
      %get3A_197 = tpu.vector_load %arg6[%get3A_194, %get3A_195, %get3A_196] {strides = array<i32>} : memref<2x32x128xi32, #tpu.memory_space<vmem>>, vector<16xi32>,
      %gather3A_198 = tpu.vector_load_idx %arg5[%get3A_197] : memref<100001xf32, #tpu.memory_space<vmem>>[vector<16xi32>], vector<16xf32>,
      %get3A_199 = arith.constant 1 : i32
      %get3A_200 = arith.index_cast %get3A_199 : i32 to index
      %get3A_201 = arith.index_cast %scan3A_172 : i32 to index
      %get3A_202 = arith.constant 64 : index
      %get3A_203 = tpu.vector_load %arg6[%get3A_200, %get3A_201, %get3A_202] {strides = array<i32>} : memref<2x32x128xi32, #tpu.memory_space<vmem>>, vector<16xi32>,
      %gather3A_204 = tpu.vector_load_idx %arg5[%get3A_203] : memref<100001xf32, #tpu.memory_space<vmem>>[vector<16xi32>], vector<16xf32>,
      %get3A_205 = arith.constant 1 : i32
      %get3A_206 = arith.index_cast %get3A_205 : i32 to index
      %get3A_207 = arith.index_cast %scan3A_172 : i32 to index
      %get3A_208 = arith.constant 80 : index
      %get3A_209 = tpu.vector_load %arg6[%get3A_206, %get3A_207, %get3A_208] {strides = array<i32>} : memref<2x32x128xi32, #tpu.memory_space<vmem>>, vector<16xi32>,
      %gather3A_210 = tpu.vector_load_idx %arg5[%get3A_209] : memref<100001xf32, #tpu.memory_space<vmem>>[vector<16xi32>], vector<16xf32>,
      %get3A_211 = arith.constant 1 : i32
      %get3A_212 = arith.index_cast %get3A_211 : i32 to index
      %get3A_213 = arith.index_cast %scan3A_172 : i32 to index
      %get3A_214 = arith.constant 96 : index
      %get3A_215 = tpu.vector_load %arg6[%get3A_212, %get3A_213, %get3A_214] {strides = array<i32>} : memref<2x32x128xi32, #tpu.memory_space<vmem>>, vector<16xi32>,
      %gather3A_216 = tpu.vector_load_idx %arg5[%get3A_215] : memref<100001xf32, #tpu.memory_space<vmem>>[vector<16xi32>], vector<16xf32>,
      %get3A_217 = arith.constant 1 : i32
      %get3A_218 = arith.index_cast %get3A_217 : i32 to index
      %get3A_219 = arith.index_cast %scan3A_172 : i32 to index
      %get3A_220 = arith.constant 112 : index
      %get3A_221 = tpu.vector_load %arg6[%get3A_218, %get3A_219, %get3A_220] {strides = array<i32>} : memref<2x32x128xi32, #tpu.memory_space<vmem>>, vector<16xi32>,
      %gather3A_222 = tpu.vector_load_idx %arg5[%get3A_221] : memref<100001xf32, #tpu.memory_space<vmem>>[vector<16xi32>], vector<16xf32>,
      %add3A_223 = arith.constant 0 : i32
      %add3A_224 = arith.addi %mul3A_176, %add3A_223 : i32
      %swap3A = arith.index_cast %add3A_224 : i32 to index
      %swap3A_225 = tpu.vector_load %arg7[%swap3A] {strides = array<i32>} : memref<16384xf32, #tpu.memory_space<vmem>>, vector<16xf32>,
      tpu.vector_store %arg7[%swap3A], %gather3A {strides = array<i32>} : memref<16384xf32, #tpu.memory_space<vmem>>, vector<16xf32>,
      %add3A_226 = arith.constant 16 : i32
      %add3A_227 = arith.addi %mul3A_176, %add3A_226 : i32
      %swap3A_228 = arith.index_cast %add3A_227 : i32 to index
      %swap3A_229 = tpu.vector_load %arg7[%swap3A_228] {strides = array<i32>} : memref<16384xf32, #tpu.memory_space<vmem>>, vector<16xf32>,
      tpu.vector_store %arg7[%swap3A_228], %gather3A_186 {strides = array<i32>} : memref<16384xf32, #tpu.memory_space<vmem>>, vector<16xf32>,
      %add3A_230 = arith.constant 32 : i32
      %add3A_231 = arith.addi %mul3A_176, %add3A_230 : i32
      %swap3A_232 = arith.index_cast %add3A_231 : i32 to index
      %swap3A_233 = tpu.vector_load %arg7[%swap3A_232] {strides = array<i32>} : memref<16384xf32, #tpu.memory_space<vmem>>, vector<16xf32>,
      tpu.vector_store %arg7[%swap3A_232], %gather3A_192 {strides = array<i32>} : memref<16384xf32, #tpu.memory_space<vmem>>, vector<16xf32>,
      %add3A_234 = arith.constant 48 : i32
      %add3A_235 = arith.addi %mul3A_176, %add3A_234 : i32
      %swap3A_236 = arith.index_cast %add3A_235 : i32 to index
      %swap3A_237 = tpu.vector_load %arg7[%swap3A_236] {strides = array<i32>} : memref<16384xf32, #tpu.memory_space<vmem>>, vector<16xf32>,
      tpu.vector_store %arg7[%swap3A_236], %gather3A_198 {strides = array<i32>} : memref<16384xf32, #tpu.memory_space<vmem>>, vector<16xf32>,
      %add3A_238 = arith.constant 64 : i32
      %add3A_239 = arith.addi %mul3A_176, %add3A_238 : i32
      %swap3A_240 = arith.index_cast %add3A_239 : i32 to index
      %swap3A_241 = tpu.vector_load %arg7[%swap3A_240] {strides = array<i32>} : memref<16384xf32, #tpu.memory_space<vmem>>, vector<16xf32>,
      tpu.vector_store %arg7[%swap3A_240], %gather3A_204 {strides = array<i32>} : memref<16384xf32, #tpu.memory_space<vmem>>, vector<16xf32>,
      %add3A_242 = arith.constant 80 : i32
      %add3A_243 = arith.addi %mul3A_176, %add3A_242 : i32
      %swap3A_244 = arith.index_cast %add3A_243 : i32 to index
      %swap3A_245 = tpu.vector_load %arg7[%swap3A_244] {strides = array<i32>} : memref<16384xf32, #tpu.memory_space<vmem>>, vector<16xf32>,
      tpu.vector_store %arg7[%swap3A_244], %gather3A_210 {strides = array<i32>} : memref<16384xf32, #tpu.memory_space<vmem>>, vector<16xf32>,
      %add3A_246 = arith.constant 96 : i32
      %add3A_247 = arith.addi %mul3A_176, %add3A_246 : i32
      %swap3A_248 = arith.index_cast %add3A_247 : i32 to index
      %swap3A_249 = tpu.vector_load %arg7[%swap3A_248] {strides = array<i32>} : memref<16384xf32, #tpu.memory_space<vmem>>, vector<16xf32>,
      tpu.vector_store %arg7[%swap3A_248], %gather3A_216 {strides = array<i32>} : memref<16384xf32, #tpu.memory_space<vmem>>, vector<16xf32>,
      %add3A_250 = arith.constant 112 : i32
      %add3A_251 = arith.addi %mul3A_176, %add3A_250 : i32
      %swap3A_252 = arith.index_cast %add3A_251 : i32 to index
      %swap3A_253 = tpu.vector_load %arg7[%swap3A_252] {strides = array<i32>} : memref<16384xf32, #tpu.memory_space<vmem>>, vector<16xf32>,
      tpu.vector_store %arg7[%swap3A_252], %gather3A_222 {strides = array<i32>} : memref<16384xf32, #tpu.memory_space<vmem>>, vector<16xf32>,
    }
    %scan3A_99 = arith.constant 32 : i32
    %dma_wait3A_100 = arith.constant 0 : i32
    %dma_wait3A_101 = arith.constant 0 : i32
    %dma_wait3A_102 = arith.constant 0 : i32
    %dma_wait3A_103 = arith.constant 0 : i32
    %dma_wait3A_104 = tpu.memref_slice %arg6[%dma_wait3A_101, %dma_wait3A_102, %dma_wait3A_103] : memref<2x32x128xi32, #tpu.memory_space<vmem>> -> memref<1x32x128xi32, #tpu.memory_space<vmem>>
    %dma_wait3A_105 = tpu.memref_squeeze %dma_wait3A_104 : memref<1x32x128xi32, #tpu.memory_space<vmem>> -> memref<32x128xi32, #tpu.memory_space<vmem>>
    %dma_wait3A_106 = arith.constant 64 : i32
    %dma_wait3A_107 = arith.constant 0 : i32
    %dma_wait3A_108 = tpu.memref_slice %arg3[%dma_wait3A_100, %dma_wait3A_106, %dma_wait3A_107] : memref<26x128x128xi32, #tpu.memory_space<hbm>> -> memref<1x32x128xi32, #tpu.memory_space<hbm>>
    %dma_wait3A_109 = tpu.memref_squeeze %dma_wait3A_108 : memref<1x32x128xi32, #tpu.memory_space<hbm>> -> memref<32x128xi32, #tpu.memory_space<hbm>>
    %dma_wait3A_110 = arith.constant 0 : i32
    %dma_wait3A_111 = arith.constant 0 : i32
    %dma_wait3A_112 = tpu.memref_slice %arg6[%dma_wait3A_101, %dma_wait3A_110, %dma_wait3A_111] : memref<2x32x128xi32, #tpu.memory_space<vmem>> -> memref<1x32x128xi32, #tpu.memory_space<vmem>>
    %dma_wait3A_113 = tpu.memref_squeeze %dma_wait3A_112 : memref<1x32x128xi32, #tpu.memory_space<vmem>> -> memref<32x128xi32, #tpu.memory_space<vmem>>
    %dma_wait3A_114 = arith.constant 64 : i32
    %dma_wait3A_115 = arith.constant 0 : i32
    %dma_wait3A_116 = tpu.memref_slice %arg3[%dma_wait3A_100, %dma_wait3A_114, %dma_wait3A_115] : memref<26x128x128xi32, #tpu.memory_space<hbm>> -> memref<1x32x128xi32, #tpu.memory_space<hbm>>
    %dma_wait3A_117 = tpu.memref_squeeze %dma_wait3A_116 : memref<1x32x128xi32, #tpu.memory_space<hbm>> -> memref<32x128xi32, #tpu.memory_space<hbm>>
    tpu.wait_dma2 semaphore(%arg8 : memref<!tpu.dma_semaphore, #tpu.memory_space<semaphore_mem>>) src(%dma_wait3A_117 : memref<32x128xi32, #tpu.memory_space<hbm>>) dst(%dma_wait3A_113 : memref<32x128xi32, #tpu.memory_space<vmem>>)
    %dma_start3A_118 = arith.constant 0 : i32
    %dma_start3A_119 = arith.constant 1 : i32
    %dma_start3A_120 = arith.constant 0 : i32
    %dma_start3A_121 = arith.constant 0 : i32
    %dma_start3A_122 = tpu.memref_slice %arg6[%dma_start3A_119, %dma_start3A_120, %dma_start3A_121] : memref<2x32x128xi32, #tpu.memory_space<vmem>> -> memref<1x32x128xi32, #tpu.memory_space<vmem>>
    %dma_start3A_123 = tpu.memref_squeeze %dma_start3A_122 : memref<1x32x128xi32, #tpu.memory_space<vmem>> -> memref<32x128xi32, #tpu.memory_space<vmem>>
    %dma_start3A_124 = arith.constant 96 : i32
    %dma_start3A_125 = arith.constant 0 : i32
    %dma_start3A_126 = tpu.memref_slice %arg3[%dma_start3A_118, %dma_start3A_124, %dma_start3A_125] : memref<26x128x128xi32, #tpu.memory_space<hbm>> -> memref<1x32x128xi32, #tpu.memory_space<hbm>>
    %dma_start3A_127 = tpu.memref_squeeze %dma_start3A_126 : memref<1x32x128xi32, #tpu.memory_space<hbm>> -> memref<32x128xi32, #tpu.memory_space<hbm>>
    %dma_start3A_128 = arith.constant 0 : i32
    %dma_start3A_129 = arith.constant 0 : i32
    %dma_start3A_130 = tpu.memref_slice %arg6[%dma_start3A_119, %dma_start3A_128, %dma_start3A_129] : memref<2x32x128xi32, #tpu.memory_space<vmem>> -> memref<1x32x128xi32, #tpu.memory_space<vmem>>
    %dma_start3A_131 = tpu.memref_squeeze %dma_start3A_130 : memref<1x32x128xi32, #tpu.memory_space<vmem>> -> memref<32x128xi32, #tpu.memory_space<vmem>>
    %dma_start3A_132 = arith.constant 96 : i32
    %dma_start3A_133 = arith.constant 0 : i32
    %dma_start3A_134 = tpu.memref_slice %arg3[%dma_start3A_118, %dma_start3A_132, %dma_start3A_133] : memref<26x128x128xi32, #tpu.memory_space<hbm>> -> memref<1x32x128xi32, #tpu.memory_space<hbm>>
    %dma_start3A_135 = tpu.memref_squeeze %dma_start3A_134 : memref<1x32x128xi32, #tpu.memory_space<hbm>> -> memref<32x128xi32, #tpu.memory_space<hbm>>
    tpu.enqueue_dma source(%dma_start3A_135 : memref<32x128xi32, #tpu.memory_space<hbm>>) target(%dma_start3A_131 : memref<32x128xi32, #tpu.memory_space<vmem>>) target_semaphore(%arg9 : memref<!tpu.dma_semaphore, #tpu.memory_space<semaphore_mem>>)
    %scan3A_136 = arith.constant 0 : i32
    %scan3A_137 = arith.constant 0 : i32
    %scan3A_138 = arith.constant 32 : i32
    %scan3A_139 = arith.addi %scan3A_137, %scan3A_138 : i32
    %scan3A_140 = arith.constant 1 : i32
    scf.for %scan3A_172 = %scan3A_137 to %scan3A_139 step %scan3A_140  : i32 {
      %add3A_173 = arith.constant 64 : i32
      %add3A_174 = arith.addi %add3A_173, %scan3A_172 : i32
      %mul3A_175 = arith.constant 128 : i32
      %mul3A_176 = arith.muli %add3A_174, %mul3A_175 : i32
      %get3A = arith.constant 0 : i32
      %get3A_177 = arith.index_cast %get3A : i32 to index
      %get3A_178 = arith.index_cast %scan3A_172 : i32 to index
      %get3A_179 = arith.constant 0 : index
      %get3A_180 = tpu.vector_load %arg6[%get3A_177, %get3A_178, %get3A_179] {strides = array<i32>} : memref<2x32x128xi32, #tpu.memory_space<vmem>>, vector<16xi32>,
      %gather3A = tpu.vector_load_idx %arg5[%get3A_180] : memref<100001xf32, #tpu.memory_space<vmem>>[vector<16xi32>], vector<16xf32>,
      %get3A_181 = arith.constant 0 : i32
      %get3A_182 = arith.index_cast %get3A_181 : i32 to index
      %get3A_183 = arith.index_cast %scan3A_172 : i32 to index
      %get3A_184 = arith.constant 16 : index
      %get3A_185 = tpu.vector_load %arg6[%get3A_182, %get3A_183, %get3A_184] {strides = array<i32>} : memref<2x32x128xi32, #tpu.memory_space<vmem>>, vector<16xi32>,
      %gather3A_186 = tpu.vector_load_idx %arg5[%get3A_185] : memref<100001xf32, #tpu.memory_space<vmem>>[vector<16xi32>], vector<16xf32>,
      %get3A_187 = arith.constant 0 : i32
      %get3A_188 = arith.index_cast %get3A_187 : i32 to index
      %get3A_189 = arith.index_cast %scan3A_172 : i32 to index
      %get3A_190 = arith.constant 32 : index
      %get3A_191 = tpu.vector_load %arg6[%get3A_188, %get3A_189, %get3A_190] {strides = array<i32>} : memref<2x32x128xi32, #tpu.memory_space<vmem>>, vector<16xi32>,
      %gather3A_192 = tpu.vector_load_idx %arg5[%get3A_191] : memref<100001xf32, #tpu.memory_space<vmem>>[vector<16xi32>], vector<16xf32>,
      %get3A_193 = arith.constant 0 : i32
      %get3A_194 = arith.index_cast %get3A_193 : i32 to index
      %get3A_195 = arith.index_cast %scan3A_172 : i32 to index
      %get3A_196 = arith.constant 48 : index
      %get3A_197 = tpu.vector_load %arg6[%get3A_194, %get3A_195, %get3A_196] {strides = array<i32>} : memref<2x32x128xi32, #tpu.memory_space<vmem>>, vector<16xi32>,
      %gather3A_198 = tpu.vector_load_idx %arg5[%get3A_197] : memref<100001xf32, #tpu.memory_space<vmem>>[vector<16xi32>], vector<16xf32>,
      %get3A_199 = arith.constant 0 : i32
      %get3A_200 = arith.index_cast %get3A_199 : i32 to index
      %get3A_201 = arith.index_cast %scan3A_172 : i32 to index
      %get3A_202 = arith.constant 64 : index
      %get3A_203 = tpu.vector_load %arg6[%get3A_200, %get3A_201, %get3A_202] {strides = array<i32>} : memref<2x32x128xi32, #tpu.memory_space<vmem>>, vector<16xi32>,
      %gather3A_204 = tpu.vector_load_idx %arg5[%get3A_203] : memref<100001xf32, #tpu.memory_space<vmem>>[vector<16xi32>], vector<16xf32>,
      %get3A_205 = arith.constant 0 : i32
      %get3A_206 = arith.index_cast %get3A_205 : i32 to index
      %get3A_207 = arith.index_cast %scan3A_172 : i32 to index
      %get3A_208 = arith.constant 80 : index
      %get3A_209 = tpu.vector_load %arg6[%get3A_206, %get3A_207, %get3A_208] {strides = array<i32>} : memref<2x32x128xi32, #tpu.memory_space<vmem>>, vector<16xi32>,
      %gather3A_210 = tpu.vector_load_idx %arg5[%get3A_209] : memref<100001xf32, #tpu.memory_space<vmem>>[vector<16xi32>], vector<16xf32>,
      %get3A_211 = arith.constant 0 : i32
      %get3A_212 = arith.index_cast %get3A_211 : i32 to index
      %get3A_213 = arith.index_cast %scan3A_172 : i32 to index
      %get3A_214 = arith.constant 96 : index
      %get3A_215 = tpu.vector_load %arg6[%get3A_212, %get3A_213, %get3A_214] {strides = array<i32>} : memref<2x32x128xi32, #tpu.memory_space<vmem>>, vector<16xi32>,
      %gather3A_216 = tpu.vector_load_idx %arg5[%get3A_215] : memref<100001xf32, #tpu.memory_space<vmem>>[vector<16xi32>], vector<16xf32>,
      %get3A_217 = arith.constant 0 : i32
      %get3A_218 = arith.index_cast %get3A_217 : i32 to index
      %get3A_219 = arith.index_cast %scan3A_172 : i32 to index
      %get3A_220 = arith.constant 112 : index
      %get3A_221 = tpu.vector_load %arg6[%get3A_218, %get3A_219, %get3A_220] {strides = array<i32>} : memref<2x32x128xi32, #tpu.memory_space<vmem>>, vector<16xi32>,
      %gather3A_222 = tpu.vector_load_idx %arg5[%get3A_221] : memref<100001xf32, #tpu.memory_space<vmem>>[vector<16xi32>], vector<16xf32>,
      %add3A_223 = arith.constant 0 : i32
      %add3A_224 = arith.addi %mul3A_176, %add3A_223 : i32
      %swap3A = arith.index_cast %add3A_224 : i32 to index
      %swap3A_225 = tpu.vector_load %arg7[%swap3A] {strides = array<i32>} : memref<16384xf32, #tpu.memory_space<vmem>>, vector<16xf32>,
      tpu.vector_store %arg7[%swap3A], %gather3A {strides = array<i32>} : memref<16384xf32, #tpu.memory_space<vmem>>, vector<16xf32>,
      %add3A_226 = arith.constant 16 : i32
      %add3A_227 = arith.addi %mul3A_176, %add3A_226 : i32
      %swap3A_228 = arith.index_cast %add3A_227 : i32 to index
      %swap3A_229 = tpu.vector_load %arg7[%swap3A_228] {strides = array<i32>} : memref<16384xf32, #tpu.memory_space<vmem>>, vector<16xf32>,
      tpu.vector_store %arg7[%swap3A_228], %gather3A_186 {strides = array<i32>} : memref<16384xf32, #tpu.memory_space<vmem>>, vector<16xf32>,
      %add3A_230 = arith.constant 32 : i32
      %add3A_231 = arith.addi %mul3A_176, %add3A_230 : i32
      %swap3A_232 = arith.index_cast %add3A_231 : i32 to index
      %swap3A_233 = tpu.vector_load %arg7[%swap3A_232] {strides = array<i32>} : memref<16384xf32, #tpu.memory_space<vmem>>, vector<16xf32>,
      tpu.vector_store %arg7[%swap3A_232], %gather3A_192 {strides = array<i32>} : memref<16384xf32, #tpu.memory_space<vmem>>, vector<16xf32>,
      %add3A_234 = arith.constant 48 : i32
      %add3A_235 = arith.addi %mul3A_176, %add3A_234 : i32
      %swap3A_236 = arith.index_cast %add3A_235 : i32 to index
      %swap3A_237 = tpu.vector_load %arg7[%swap3A_236] {strides = array<i32>} : memref<16384xf32, #tpu.memory_space<vmem>>, vector<16xf32>,
      tpu.vector_store %arg7[%swap3A_236], %gather3A_198 {strides = array<i32>} : memref<16384xf32, #tpu.memory_space<vmem>>, vector<16xf32>,
      %add3A_238 = arith.constant 64 : i32
      %add3A_239 = arith.addi %mul3A_176, %add3A_238 : i32
      %swap3A_240 = arith.index_cast %add3A_239 : i32 to index
      %swap3A_241 = tpu.vector_load %arg7[%swap3A_240] {strides = array<i32>} : memref<16384xf32, #tpu.memory_space<vmem>>, vector<16xf32>,
      tpu.vector_store %arg7[%swap3A_240], %gather3A_204 {strides = array<i32>} : memref<16384xf32, #tpu.memory_space<vmem>>, vector<16xf32>,
      %add3A_242 = arith.constant 80 : i32
      %add3A_243 = arith.addi %mul3A_176, %add3A_242 : i32
      %swap3A_244 = arith.index_cast %add3A_243 : i32 to index
      %swap3A_245 = tpu.vector_load %arg7[%swap3A_244] {strides = array<i32>} : memref<16384xf32, #tpu.memory_space<vmem>>, vector<16xf32>,
      tpu.vector_store %arg7[%swap3A_244], %gather3A_210 {strides = array<i32>} : memref<16384xf32, #tpu.memory_space<vmem>>, vector<16xf32>,
      %add3A_246 = arith.constant 96 : i32
      %add3A_247 = arith.addi %mul3A_176, %add3A_246 : i32
      %swap3A_248 = arith.index_cast %add3A_247 : i32 to index
      %swap3A_249 = tpu.vector_load %arg7[%swap3A_248] {strides = array<i32>} : memref<16384xf32, #tpu.memory_space<vmem>>, vector<16xf32>,
      tpu.vector_store %arg7[%swap3A_248], %gather3A_216 {strides = array<i32>} : memref<16384xf32, #tpu.memory_space<vmem>>, vector<16xf32>,
      %add3A_250 = arith.constant 112 : i32
      %add3A_251 = arith.addi %mul3A_176, %add3A_250 : i32
      %swap3A_252 = arith.index_cast %add3A_251 : i32 to index
      %swap3A_253 = tpu.vector_load %arg7[%swap3A_252] {strides = array<i32>} : memref<16384xf32, #tpu.memory_space<vmem>>, vector<16xf32>,
      tpu.vector_store %arg7[%swap3A_252], %gather3A_222 {strides = array<i32>} : memref<16384xf32, #tpu.memory_space<vmem>>, vector<16xf32>,
    }
    %scan3A_141 = arith.constant 32 : i32
    %dma_wait3A_142 = arith.constant 0 : i32
    %dma_wait3A_143 = arith.constant 1 : i32
    %dma_wait3A_144 = arith.constant 0 : i32
    %dma_wait3A_145 = arith.constant 0 : i32
    %dma_wait3A_146 = tpu.memref_slice %arg6[%dma_wait3A_143, %dma_wait3A_144, %dma_wait3A_145] : memref<2x32x128xi32, #tpu.memory_space<vmem>> -> memref<1x32x128xi32, #tpu.memory_space<vmem>>
    %dma_wait3A_147 = tpu.memref_squeeze %dma_wait3A_146 : memref<1x32x128xi32, #tpu.memory_space<vmem>> -> memref<32x128xi32, #tpu.memory_space<vmem>>
    %dma_wait3A_148 = arith.constant 96 : i32
    %dma_wait3A_149 = arith.constant 0 : i32
    %dma_wait3A_150 = tpu.memref_slice %arg3[%dma_wait3A_142, %dma_wait3A_148, %dma_wait3A_149] : memref<26x128x128xi32, #tpu.memory_space<hbm>> -> memref<1x32x128xi32, #tpu.memory_space<hbm>>
    %dma_wait3A_151 = tpu.memref_squeeze %dma_wait3A_150 : memref<1x32x128xi32, #tpu.memory_space<hbm>> -> memref<32x128xi32, #tpu.memory_space<hbm>>
    %dma_wait3A_152 = arith.constant 0 : i32
    %dma_wait3A_153 = arith.constant 0 : i32
    %dma_wait3A_154 = tpu.memref_slice %arg6[%dma_wait3A_143, %dma_wait3A_152, %dma_wait3A_153] : memref<2x32x128xi32, #tpu.memory_space<vmem>> -> memref<1x32x128xi32, #tpu.memory_space<vmem>>
    %dma_wait3A_155 = tpu.memref_squeeze %dma_wait3A_154 : memref<1x32x128xi32, #tpu.memory_space<vmem>> -> memref<32x128xi32, #tpu.memory_space<vmem>>
    %dma_wait3A_156 = arith.constant 96 : i32
    %dma_wait3A_157 = arith.constant 0 : i32
    %dma_wait3A_158 = tpu.memref_slice %arg3[%dma_wait3A_142, %dma_wait3A_156, %dma_wait3A_157] : memref<26x128x128xi32, #tpu.memory_space<hbm>> -> memref<1x32x128xi32, #tpu.memory_space<hbm>>
    %dma_wait3A_159 = tpu.memref_squeeze %dma_wait3A_158 : memref<1x32x128xi32, #tpu.memory_space<hbm>> -> memref<32x128xi32, #tpu.memory_space<hbm>>
    tpu.wait_dma2 semaphore(%arg9 : memref<!tpu.dma_semaphore, #tpu.memory_space<semaphore_mem>>) src(%dma_wait3A_159 : memref<32x128xi32, #tpu.memory_space<hbm>>) dst(%dma_wait3A_155 : memref<32x128xi32, #tpu.memory_space<vmem>>)
    %scan3A_160 = arith.constant 0 : i32
    %scan3A_161 = arith.constant 0 : i32
    %scan3A_162 = arith.constant 32 : i32
    %scan3A_163 = arith.addi %scan3A_161, %scan3A_162 : i32
    %scan3A_164 = arith.constant 1 : i32
    scf.for %scan3A_172 = %scan3A_161 to %scan3A_163 step %scan3A_164  : i32 {
      %add3A_173 = arith.constant 96 : i32
      %add3A_174 = arith.addi %add3A_173, %scan3A_172 : i32
      %mul3A_175 = arith.constant 128 : i32
      %mul3A_176 = arith.muli %add3A_174, %mul3A_175 : i32
      %get3A = arith.constant 1 : i32
      %get3A_177 = arith.index_cast %get3A : i32 to index
      %get3A_178 = arith.index_cast %scan3A_172 : i32 to index
      %get3A_179 = arith.constant 0 : index
      %get3A_180 = tpu.vector_load %arg6[%get3A_177, %get3A_178, %get3A_179] {strides = array<i32>} : memref<2x32x128xi32, #tpu.memory_space<vmem>>, vector<16xi32>,
      %gather3A = tpu.vector_load_idx %arg5[%get3A_180] : memref<100001xf32, #tpu.memory_space<vmem>>[vector<16xi32>], vector<16xf32>,
      %get3A_181 = arith.constant 1 : i32
      %get3A_182 = arith.index_cast %get3A_181 : i32 to index
      %get3A_183 = arith.index_cast %scan3A_172 : i32 to index
      %get3A_184 = arith.constant 16 : index
      %get3A_185 = tpu.vector_load %arg6[%get3A_182, %get3A_183, %get3A_184] {strides = array<i32>} : memref<2x32x128xi32, #tpu.memory_space<vmem>>, vector<16xi32>,
      %gather3A_186 = tpu.vector_load_idx %arg5[%get3A_185] : memref<100001xf32, #tpu.memory_space<vmem>>[vector<16xi32>], vector<16xf32>,
      %get3A_187 = arith.constant 1 : i32
      %get3A_188 = arith.index_cast %get3A_187 : i32 to index
      %get3A_189 = arith.index_cast %scan3A_172 : i32 to index
      %get3A_190 = arith.constant 32 : index
      %get3A_191 = tpu.vector_load %arg6[%get3A_188, %get3A_189, %get3A_190] {strides = array<i32>} : memref<2x32x128xi32, #tpu.memory_space<vmem>>, vector<16xi32>,
      %gather3A_192 = tpu.vector_load_idx %arg5[%get3A_191] : memref<100001xf32, #tpu.memory_space<vmem>>[vector<16xi32>], vector<16xf32>,
      %get3A_193 = arith.constant 1 : i32
      %get3A_194 = arith.index_cast %get3A_193 : i32 to index
      %get3A_195 = arith.index_cast %scan3A_172 : i32 to index
      %get3A_196 = arith.constant 48 : index
      %get3A_197 = tpu.vector_load %arg6[%get3A_194, %get3A_195, %get3A_196] {strides = array<i32>} : memref<2x32x128xi32, #tpu.memory_space<vmem>>, vector<16xi32>,
      %gather3A_198 = tpu.vector_load_idx %arg5[%get3A_197] : memref<100001xf32, #tpu.memory_space<vmem>>[vector<16xi32>], vector<16xf32>,
      %get3A_199 = arith.constant 1 : i32
      %get3A_200 = arith.index_cast %get3A_199 : i32 to index
      %get3A_201 = arith.index_cast %scan3A_172 : i32 to index
      %get3A_202 = arith.constant 64 : index
      %get3A_203 = tpu.vector_load %arg6[%get3A_200, %get3A_201, %get3A_202] {strides = array<i32>} : memref<2x32x128xi32, #tpu.memory_space<vmem>>, vector<16xi32>,
      %gather3A_204 = tpu.vector_load_idx %arg5[%get3A_203] : memref<100001xf32, #tpu.memory_space<vmem>>[vector<16xi32>], vector<16xf32>,
      %get3A_205 = arith.constant 1 : i32
      %get3A_206 = arith.index_cast %get3A_205 : i32 to index
      %get3A_207 = arith.index_cast %scan3A_172 : i32 to index
      %get3A_208 = arith.constant 80 : index
      %get3A_209 = tpu.vector_load %arg6[%get3A_206, %get3A_207, %get3A_208] {strides = array<i32>} : memref<2x32x128xi32, #tpu.memory_space<vmem>>, vector<16xi32>,
      %gather3A_210 = tpu.vector_load_idx %arg5[%get3A_209] : memref<100001xf32, #tpu.memory_space<vmem>>[vector<16xi32>], vector<16xf32>,
      %get3A_211 = arith.constant 1 : i32
      %get3A_212 = arith.index_cast %get3A_211 : i32 to index
      %get3A_213 = arith.index_cast %scan3A_172 : i32 to index
      %get3A_214 = arith.constant 96 : index
      %get3A_215 = tpu.vector_load %arg6[%get3A_212, %get3A_213, %get3A_214] {strides = array<i32>} : memref<2x32x128xi32, #tpu.memory_space<vmem>>, vector<16xi32>,
      %gather3A_216 = tpu.vector_load_idx %arg5[%get3A_215] : memref<100001xf32, #tpu.memory_space<vmem>>[vector<16xi32>], vector<16xf32>,
      %get3A_217 = arith.constant 1 : i32
      %get3A_218 = arith.index_cast %get3A_217 : i32 to index
      %get3A_219 = arith.index_cast %scan3A_172 : i32 to index
      %get3A_220 = arith.constant 112 : index
      %get3A_221 = tpu.vector_load %arg6[%get3A_218, %get3A_219, %get3A_220] {strides = array<i32>} : memref<2x32x128xi32, #tpu.memory_space<vmem>>, vector<16xi32>,
      %gather3A_222 = tpu.vector_load_idx %arg5[%get3A_221] : memref<100001xf32, #tpu.memory_space<vmem>>[vector<16xi32>], vector<16xf32>,
      %add3A_223 = arith.constant 0 : i32
      %add3A_224 = arith.addi %mul3A_176, %add3A_223 : i32
      %swap3A = arith.index_cast %add3A_224 : i32 to index
      %swap3A_225 = tpu.vector_load %arg7[%swap3A] {strides = array<i32>} : memref<16384xf32, #tpu.memory_space<vmem>>, vector<16xf32>,
      tpu.vector_store %arg7[%swap3A], %gather3A {strides = array<i32>} : memref<16384xf32, #tpu.memory_space<vmem>>, vector<16xf32>,
      %add3A_226 = arith.constant 16 : i32
      %add3A_227 = arith.addi %mul3A_176, %add3A_226 : i32
      %swap3A_228 = arith.index_cast %add3A_227 : i32 to index
      %swap3A_229 = tpu.vector_load %arg7[%swap3A_228] {strides = array<i32>} : memref<16384xf32, #tpu.memory_space<vmem>>, vector<16xf32>,
      tpu.vector_store %arg7[%swap3A_228], %gather3A_186 {strides = array<i32>} : memref<16384xf32, #tpu.memory_space<vmem>>, vector<16xf32>,
      %add3A_230 = arith.constant 32 : i32
      %add3A_231 = arith.addi %mul3A_176, %add3A_230 : i32
      %swap3A_232 = arith.index_cast %add3A_231 : i32 to index
      %swap3A_233 = tpu.vector_load %arg7[%swap3A_232] {strides = array<i32>} : memref<16384xf32, #tpu.memory_space<vmem>>, vector<16xf32>,
      tpu.vector_store %arg7[%swap3A_232], %gather3A_192 {strides = array<i32>} : memref<16384xf32, #tpu.memory_space<vmem>>, vector<16xf32>,
      %add3A_234 = arith.constant 48 : i32
      %add3A_235 = arith.addi %mul3A_176, %add3A_234 : i32
      %swap3A_236 = arith.index_cast %add3A_235 : i32 to index
      %swap3A_237 = tpu.vector_load %arg7[%swap3A_236] {strides = array<i32>} : memref<16384xf32, #tpu.memory_space<vmem>>, vector<16xf32>,
      tpu.vector_store %arg7[%swap3A_236], %gather3A_198 {strides = array<i32>} : memref<16384xf32, #tpu.memory_space<vmem>>, vector<16xf32>,
      %add3A_238 = arith.constant 64 : i32
      %add3A_239 = arith.addi %mul3A_176, %add3A_238 : i32
      %swap3A_240 = arith.index_cast %add3A_239 : i32 to index
      %swap3A_241 = tpu.vector_load %arg7[%swap3A_240] {strides = array<i32>} : memref<16384xf32, #tpu.memory_space<vmem>>, vector<16xf32>,
      tpu.vector_store %arg7[%swap3A_240], %gather3A_204 {strides = array<i32>} : memref<16384xf32, #tpu.memory_space<vmem>>, vector<16xf32>,
      %add3A_242 = arith.constant 80 : i32
      %add3A_243 = arith.addi %mul3A_176, %add3A_242 : i32
      %swap3A_244 = arith.index_cast %add3A_243 : i32 to index
      %swap3A_245 = tpu.vector_load %arg7[%swap3A_244] {strides = array<i32>} : memref<16384xf32, #tpu.memory_space<vmem>>, vector<16xf32>,
      tpu.vector_store %arg7[%swap3A_244], %gather3A_210 {strides = array<i32>} : memref<16384xf32, #tpu.memory_space<vmem>>, vector<16xf32>,
      %add3A_246 = arith.constant 96 : i32
      %add3A_247 = arith.addi %mul3A_176, %add3A_246 : i32
      %swap3A_248 = arith.index_cast %add3A_247 : i32 to index
      %swap3A_249 = tpu.vector_load %arg7[%swap3A_248] {strides = array<i32>} : memref<16384xf32, #tpu.memory_space<vmem>>, vector<16xf32>,
      tpu.vector_store %arg7[%swap3A_248], %gather3A_216 {strides = array<i32>} : memref<16384xf32, #tpu.memory_space<vmem>>, vector<16xf32>,
      %add3A_250 = arith.constant 112 : i32
      %add3A_251 = arith.addi %mul3A_176, %add3A_250 : i32
      %swap3A_252 = arith.index_cast %add3A_251 : i32 to index
      %swap3A_253 = tpu.vector_load %arg7[%swap3A_252] {strides = array<i32>} : memref<16384xf32, #tpu.memory_space<vmem>>, vector<16xf32>,
      tpu.vector_store %arg7[%swap3A_252], %gather3A_222 {strides = array<i32>} : memref<16384xf32, #tpu.memory_space<vmem>>, vector<16xf32>,
    }
    %scan3A_165 = arith.constant 32 : i32
    %scan3A_166 = arith.constant 0 : i32
    %scan3A_167 = arith.constant 1 : i32
    %scan3A_168 = arith.constant 25 : i32
    %scan3A_169 = arith.addi %scan3A_167, %scan3A_168 : i32
    %scan3A_170 = arith.constant 1 : i32
    scf.for %scan3A_172 = %scan3A_167 to %scan3A_169 step %scan3A_170  : i32 {
      "tpu.region"() ({
        %run_scoped3A_333 = tpu.sem_alloc : memref<!tpu.dma_semaphore, #tpu.memory_space<semaphore_mem>>
        %dma_start3A_334 = arith.constant 0 : i32
        %dma_start3A_335 = tpu.memref_slice %arg2[%scan3A_172, %add3A, %dma_start3A_334] : memref<26x32x100001xf32, #tpu.memory_space<hbm>> -> memref<1x1x100001xf32, #tpu.memory_space<hbm>>
        %dma_start3A_336 = tpu.memref_squeeze %dma_start3A_335 : memref<1x1x100001xf32, #tpu.memory_space<hbm>> -> memref<100001xf32, #tpu.memory_space<hbm>>
        %dma_start3A_337 = arith.constant 0 : i32
        %dma_start3A_338 = tpu.memref_slice %arg2[%scan3A_172, %add3A, %dma_start3A_337] : memref<26x32x100001xf32, #tpu.memory_space<hbm>> -> memref<1x1x100001xf32, #tpu.memory_space<hbm>>
        %dma_start3A_339 = tpu.memref_squeeze %dma_start3A_338 : memref<1x1x100001xf32, #tpu.memory_space<hbm>> -> memref<100001xf32, #tpu.memory_space<hbm>>
        tpu.enqueue_dma source(%dma_start3A_339 : memref<100001xf32, #tpu.memory_space<hbm>>) target(%arg5 : memref<100001xf32, #tpu.memory_space<vmem>>) target_semaphore(%run_scoped3A_333 : memref<!tpu.dma_semaphore, #tpu.memory_space<semaphore_mem>>)
        %dma_wait3A_340 = arith.constant 0 : i32
        %dma_wait3A_341 = tpu.memref_slice %arg2[%scan3A_172, %add3A, %dma_wait3A_340] : memref<26x32x100001xf32, #tpu.memory_space<hbm>> -> memref<1x1x100001xf32, #tpu.memory_space<hbm>>
        %dma_wait3A_342 = tpu.memref_squeeze %dma_wait3A_341 : memref<1x1x100001xf32, #tpu.memory_space<hbm>> -> memref<100001xf32, #tpu.memory_space<hbm>>
        %dma_wait3A_343 = arith.constant 0 : i32
        %dma_wait3A_344 = tpu.memref_slice %arg2[%scan3A_172, %add3A, %dma_wait3A_343] : memref<26x32x100001xf32, #tpu.memory_space<hbm>> -> memref<1x1x100001xf32, #tpu.memory_space<hbm>>
        %dma_wait3A_345 = tpu.memref_squeeze %dma_wait3A_344 : memref<1x1x100001xf32, #tpu.memory_space<hbm>> -> memref<100001xf32, #tpu.memory_space<hbm>>
        tpu.wait_dma2 semaphore(%run_scoped3A_333 : memref<!tpu.dma_semaphore, #tpu.memory_space<semaphore_mem>>) src(%dma_wait3A_345 : memref<100001xf32, #tpu.memory_space<hbm>>) dst(%arg5 : memref<100001xf32, #tpu.memory_space<vmem>>)
        tpu.yield
      }) : () -> ()
      %dma_start3A_173 = arith.constant 0 : i32
      %dma_start3A_174 = arith.constant 0 : i32
      %dma_start3A_175 = arith.constant 0 : i32
      %dma_start3A_176 = tpu.memref_slice %arg6[%dma_start3A_173, %dma_start3A_174, %dma_start3A_175] : memref<2x32x128xi32, #tpu.memory_space<vmem>> -> memref<1x32x128xi32, #tpu.memory_space<vmem>>
      %dma_start3A_177 = tpu.memref_squeeze %dma_start3A_176 : memref<1x32x128xi32, #tpu.memory_space<vmem>> -> memref<32x128xi32, #tpu.memory_space<vmem>>
      %dma_start3A_178 = arith.constant 0 : i32
      %dma_start3A_179 = arith.constant 0 : i32
      %dma_start3A_180 = tpu.memref_slice %arg3[%scan3A_172, %dma_start3A_178, %dma_start3A_179] : memref<26x128x128xi32, #tpu.memory_space<hbm>> -> memref<1x32x128xi32, #tpu.memory_space<hbm>>
      %dma_start3A_181 = tpu.memref_squeeze %dma_start3A_180 : memref<1x32x128xi32, #tpu.memory_space<hbm>> -> memref<32x128xi32, #tpu.memory_space<hbm>>
      %dma_start3A_182 = arith.constant 0 : i32
      %dma_start3A_183 = arith.constant 0 : i32
      %dma_start3A_184 = tpu.memref_slice %arg6[%dma_start3A_173, %dma_start3A_182, %dma_start3A_183] : memref<2x32x128xi32, #tpu.memory_space<vmem>> -> memref<1x32x128xi32, #tpu.memory_space<vmem>>
      %dma_start3A_185 = tpu.memref_squeeze %dma_start3A_184 : memref<1x32x128xi32, #tpu.memory_space<vmem>> -> memref<32x128xi32, #tpu.memory_space<vmem>>
      %dma_start3A_186 = arith.constant 0 : i32
      %dma_start3A_187 = arith.constant 0 : i32
      %dma_start3A_188 = tpu.memref_slice %arg3[%scan3A_172, %dma_start3A_186, %dma_start3A_187] : memref<26x128x128xi32, #tpu.memory_space<hbm>> -> memref<1x32x128xi32, #tpu.memory_space<hbm>>
      %dma_start3A_189 = tpu.memref_squeeze %dma_start3A_188 : memref<1x32x128xi32, #tpu.memory_space<hbm>> -> memref<32x128xi32, #tpu.memory_space<hbm>>
      tpu.enqueue_dma source(%dma_start3A_189 : memref<32x128xi32, #tpu.memory_space<hbm>>) target(%dma_start3A_185 : memref<32x128xi32, #tpu.memory_space<vmem>>) target_semaphore(%arg8 : memref<!tpu.dma_semaphore, #tpu.memory_space<semaphore_mem>>)
      %dma_wait3A_190 = arith.constant 0 : i32
      %dma_wait3A_191 = arith.constant 0 : i32
      %dma_wait3A_192 = arith.constant 0 : i32
      %dma_wait3A_193 = tpu.memref_slice %arg6[%dma_wait3A_190, %dma_wait3A_191, %dma_wait3A_192] : memref<2x32x128xi32, #tpu.memory_space<vmem>> -> memref<1x32x128xi32, #tpu.memory_space<vmem>>
      %dma_wait3A_194 = tpu.memref_squeeze %dma_wait3A_193 : memref<1x32x128xi32, #tpu.memory_space<vmem>> -> memref<32x128xi32, #tpu.memory_space<vmem>>
      %dma_wait3A_195 = arith.constant 0 : i32
      %dma_wait3A_196 = arith.constant 0 : i32
      %dma_wait3A_197 = tpu.memref_slice %arg3[%scan3A_172, %dma_wait3A_195, %dma_wait3A_196] : memref<26x128x128xi32, #tpu.memory_space<hbm>> -> memref<1x32x128xi32, #tpu.memory_space<hbm>>
      %dma_wait3A_198 = tpu.memref_squeeze %dma_wait3A_197 : memref<1x32x128xi32, #tpu.memory_space<hbm>> -> memref<32x128xi32, #tpu.memory_space<hbm>>
      %dma_wait3A_199 = arith.constant 0 : i32
      %dma_wait3A_200 = arith.constant 0 : i32
      %dma_wait3A_201 = tpu.memref_slice %arg6[%dma_wait3A_190, %dma_wait3A_199, %dma_wait3A_200] : memref<2x32x128xi32, #tpu.memory_space<vmem>> -> memref<1x32x128xi32, #tpu.memory_space<vmem>>
      %dma_wait3A_202 = tpu.memref_squeeze %dma_wait3A_201 : memref<1x32x128xi32, #tpu.memory_space<vmem>> -> memref<32x128xi32, #tpu.memory_space<vmem>>
      %dma_wait3A_203 = arith.constant 0 : i32
      %dma_wait3A_204 = arith.constant 0 : i32
      %dma_wait3A_205 = tpu.memref_slice %arg3[%scan3A_172, %dma_wait3A_203, %dma_wait3A_204] : memref<26x128x128xi32, #tpu.memory_space<hbm>> -> memref<1x32x128xi32, #tpu.memory_space<hbm>>
      %dma_wait3A_206 = tpu.memref_squeeze %dma_wait3A_205 : memref<1x32x128xi32, #tpu.memory_space<hbm>> -> memref<32x128xi32, #tpu.memory_space<hbm>>
      tpu.wait_dma2 semaphore(%arg8 : memref<!tpu.dma_semaphore, #tpu.memory_space<semaphore_mem>>) src(%dma_wait3A_206 : memref<32x128xi32, #tpu.memory_space<hbm>>) dst(%dma_wait3A_202 : memref<32x128xi32, #tpu.memory_space<vmem>>)
      %dma_start3A_207 = arith.constant 1 : i32
      %dma_start3A_208 = arith.constant 0 : i32
      %dma_start3A_209 = arith.constant 0 : i32
      %dma_start3A_210 = tpu.memref_slice %arg6[%dma_start3A_207, %dma_start3A_208, %dma_start3A_209] : memref<2x32x128xi32, #tpu.memory_space<vmem>> -> memref<1x32x128xi32, #tpu.memory_space<vmem>>
      %dma_start3A_211 = tpu.memref_squeeze %dma_start3A_210 : memref<1x32x128xi32, #tpu.memory_space<vmem>> -> memref<32x128xi32, #tpu.memory_space<vmem>>
      %dma_start3A_212 = arith.constant 32 : i32
      %dma_start3A_213 = arith.constant 0 : i32
      %dma_start3A_214 = tpu.memref_slice %arg3[%scan3A_172, %dma_start3A_212, %dma_start3A_213] : memref<26x128x128xi32, #tpu.memory_space<hbm>> -> memref<1x32x128xi32, #tpu.memory_space<hbm>>
      %dma_start3A_215 = tpu.memref_squeeze %dma_start3A_214 : memref<1x32x128xi32, #tpu.memory_space<hbm>> -> memref<32x128xi32, #tpu.memory_space<hbm>>
      %dma_start3A_216 = arith.constant 0 : i32
      %dma_start3A_217 = arith.constant 0 : i32
      %dma_start3A_218 = tpu.memref_slice %arg6[%dma_start3A_207, %dma_start3A_216, %dma_start3A_217] : memref<2x32x128xi32, #tpu.memory_space<vmem>> -> memref<1x32x128xi32, #tpu.memory_space<vmem>>
      %dma_start3A_219 = tpu.memref_squeeze %dma_start3A_218 : memref<1x32x128xi32, #tpu.memory_space<vmem>> -> memref<32x128xi32, #tpu.memory_space<vmem>>
      %dma_start3A_220 = arith.constant 32 : i32
      %dma_start3A_221 = arith.constant 0 : i32
      %dma_start3A_222 = tpu.memref_slice %arg3[%scan3A_172, %dma_start3A_220, %dma_start3A_221] : memref<26x128x128xi32, #tpu.memory_space<hbm>> -> memref<1x32x128xi32, #tpu.memory_space<hbm>>
      %dma_start3A_223 = tpu.memref_squeeze %dma_start3A_222 : memref<1x32x128xi32, #tpu.memory_space<hbm>> -> memref<32x128xi32, #tpu.memory_space<hbm>>
      tpu.enqueue_dma source(%dma_start3A_223 : memref<32x128xi32, #tpu.memory_space<hbm>>) target(%dma_start3A_219 : memref<32x128xi32, #tpu.memory_space<vmem>>) target_semaphore(%arg9 : memref<!tpu.dma_semaphore, #tpu.memory_space<semaphore_mem>>)
      %scan3A_224 = arith.constant 0 : i32
      %scan3A_225 = arith.constant 0 : i32
      %scan3A_226 = arith.constant 32 : i32
      %scan3A_227 = arith.addi %scan3A_225, %scan3A_226 : i32
      %scan3A_228 = arith.constant 1 : i32
      scf.for %scan3A_333 = %scan3A_225 to %scan3A_227 step %scan3A_228  : i32 {
        %add3A_334 = arith.constant 0 : i32
        %add3A_335 = arith.addi %add3A_334, %scan3A_333 : i32
        %mul3A_336 = arith.constant 128 : i32
        %mul3A_337 = arith.muli %add3A_335, %mul3A_336 : i32
        %get3A = arith.constant 0 : i32
        %get3A_338 = arith.index_cast %get3A : i32 to index
        %get3A_339 = arith.index_cast %scan3A_333 : i32 to index
        %get3A_340 = arith.constant 0 : index
        %get3A_341 = tpu.vector_load %arg6[%get3A_338, %get3A_339, %get3A_340] {strides = array<i32>} : memref<2x32x128xi32, #tpu.memory_space<vmem>>, vector<16xi32>,
        %gather3A = tpu.vector_load_idx %arg5[%get3A_341] : memref<100001xf32, #tpu.memory_space<vmem>>[vector<16xi32>], vector<16xf32>,
        %get3A_342 = arith.constant 0 : i32
        %get3A_343 = arith.index_cast %get3A_342 : i32 to index
        %get3A_344 = arith.index_cast %scan3A_333 : i32 to index
        %get3A_345 = arith.constant 16 : index
        %get3A_346 = tpu.vector_load %arg6[%get3A_343, %get3A_344, %get3A_345] {strides = array<i32>} : memref<2x32x128xi32, #tpu.memory_space<vmem>>, vector<16xi32>,
        %gather3A_347 = tpu.vector_load_idx %arg5[%get3A_346] : memref<100001xf32, #tpu.memory_space<vmem>>[vector<16xi32>], vector<16xf32>,
        %get3A_348 = arith.constant 0 : i32
        %get3A_349 = arith.index_cast %get3A_348 : i32 to index
        %get3A_350 = arith.index_cast %scan3A_333 : i32 to index
        %get3A_351 = arith.constant 32 : index
        %get3A_352 = tpu.vector_load %arg6[%get3A_349, %get3A_350, %get3A_351] {strides = array<i32>} : memref<2x32x128xi32, #tpu.memory_space<vmem>>, vector<16xi32>,
        %gather3A_353 = tpu.vector_load_idx %arg5[%get3A_352] : memref<100001xf32, #tpu.memory_space<vmem>>[vector<16xi32>], vector<16xf32>,
        %get3A_354 = arith.constant 0 : i32
        %get3A_355 = arith.index_cast %get3A_354 : i32 to index
        %get3A_356 = arith.index_cast %scan3A_333 : i32 to index
        %get3A_357 = arith.constant 48 : index
        %get3A_358 = tpu.vector_load %arg6[%get3A_355, %get3A_356, %get3A_357] {strides = array<i32>} : memref<2x32x128xi32, #tpu.memory_space<vmem>>, vector<16xi32>,
        %gather3A_359 = tpu.vector_load_idx %arg5[%get3A_358] : memref<100001xf32, #tpu.memory_space<vmem>>[vector<16xi32>], vector<16xf32>,
        %get3A_360 = arith.constant 0 : i32
        %get3A_361 = arith.index_cast %get3A_360 : i32 to index
        %get3A_362 = arith.index_cast %scan3A_333 : i32 to index
        %get3A_363 = arith.constant 64 : index
        %get3A_364 = tpu.vector_load %arg6[%get3A_361, %get3A_362, %get3A_363] {strides = array<i32>} : memref<2x32x128xi32, #tpu.memory_space<vmem>>, vector<16xi32>,
        %gather3A_365 = tpu.vector_load_idx %arg5[%get3A_364] : memref<100001xf32, #tpu.memory_space<vmem>>[vector<16xi32>], vector<16xf32>,
        %get3A_366 = arith.constant 0 : i32
        %get3A_367 = arith.index_cast %get3A_366 : i32 to index
        %get3A_368 = arith.index_cast %scan3A_333 : i32 to index
        %get3A_369 = arith.constant 80 : index
        %get3A_370 = tpu.vector_load %arg6[%get3A_367, %get3A_368, %get3A_369] {strides = array<i32>} : memref<2x32x128xi32, #tpu.memory_space<vmem>>, vector<16xi32>,
        %gather3A_371 = tpu.vector_load_idx %arg5[%get3A_370] : memref<100001xf32, #tpu.memory_space<vmem>>[vector<16xi32>], vector<16xf32>,
        %get3A_372 = arith.constant 0 : i32
        %get3A_373 = arith.index_cast %get3A_372 : i32 to index
        %get3A_374 = arith.index_cast %scan3A_333 : i32 to index
        %get3A_375 = arith.constant 96 : index
        %get3A_376 = tpu.vector_load %arg6[%get3A_373, %get3A_374, %get3A_375] {strides = array<i32>} : memref<2x32x128xi32, #tpu.memory_space<vmem>>, vector<16xi32>,
        %gather3A_377 = tpu.vector_load_idx %arg5[%get3A_376] : memref<100001xf32, #tpu.memory_space<vmem>>[vector<16xi32>], vector<16xf32>,
        %get3A_378 = arith.constant 0 : i32
        %get3A_379 = arith.index_cast %get3A_378 : i32 to index
        %get3A_380 = arith.index_cast %scan3A_333 : i32 to index
        %get3A_381 = arith.constant 112 : index
        %get3A_382 = tpu.vector_load %arg6[%get3A_379, %get3A_380, %get3A_381] {strides = array<i32>} : memref<2x32x128xi32, #tpu.memory_space<vmem>>, vector<16xi32>,
        %gather3A_383 = tpu.vector_load_idx %arg5[%get3A_382] : memref<100001xf32, #tpu.memory_space<vmem>>[vector<16xi32>], vector<16xf32>,
        %add3A_384 = arith.constant 0 : i32
        %add3A_385 = arith.addi %mul3A_337, %add3A_384 : i32
        %get3A_386 = arith.index_cast %add3A_385 : i32 to index
        %get3A_387 = tpu.vector_load %arg7[%get3A_386] {strides = array<i32>} : memref<16384xf32, #tpu.memory_space<vmem>>, vector<16xf32>,
        %add3A_388 = arith.constant 16 : i32
        %add3A_389 = arith.addi %mul3A_337, %add3A_388 : i32
        %get3A_390 = arith.index_cast %add3A_389 : i32 to index
        %get3A_391 = tpu.vector_load %arg7[%get3A_390] {strides = array<i32>} : memref<16384xf32, #tpu.memory_space<vmem>>, vector<16xf32>,
        %add3A_392 = arith.constant 32 : i32
        %add3A_393 = arith.addi %mul3A_337, %add3A_392 : i32
        %get3A_394 = arith.index_cast %add3A_393 : i32 to index
        %get3A_395 = tpu.vector_load %arg7[%get3A_394] {strides = array<i32>} : memref<16384xf32, #tpu.memory_space<vmem>>, vector<16xf32>,
        %add3A_396 = arith.constant 48 : i32
        %add3A_397 = arith.addi %mul3A_337, %add3A_396 : i32
        %get3A_398 = arith.index_cast %add3A_397 : i32 to index
        %get3A_399 = tpu.vector_load %arg7[%get3A_398] {strides = array<i32>} : memref<16384xf32, #tpu.memory_space<vmem>>, vector<16xf32>,
        %add3A_400 = arith.constant 64 : i32
        %add3A_401 = arith.addi %mul3A_337, %add3A_400 : i32
        %get3A_402 = arith.index_cast %add3A_401 : i32 to index
        %get3A_403 = tpu.vector_load %arg7[%get3A_402] {strides = array<i32>} : memref<16384xf32, #tpu.memory_space<vmem>>, vector<16xf32>,
        %add3A_404 = arith.constant 80 : i32
        %add3A_405 = arith.addi %mul3A_337, %add3A_404 : i32
        %get3A_406 = arith.index_cast %add3A_405 : i32 to index
        %get3A_407 = tpu.vector_load %arg7[%get3A_406] {strides = array<i32>} : memref<16384xf32, #tpu.memory_space<vmem>>, vector<16xf32>,
        %add3A_408 = arith.constant 96 : i32
        %add3A_409 = arith.addi %mul3A_337, %add3A_408 : i32
        %get3A_410 = arith.index_cast %add3A_409 : i32 to index
        %get3A_411 = tpu.vector_load %arg7[%get3A_410] {strides = array<i32>} : memref<16384xf32, #tpu.memory_space<vmem>>, vector<16xf32>,
        %add3A_412 = arith.constant 112 : i32
        %add3A_413 = arith.addi %mul3A_337, %add3A_412 : i32
        %get3A_414 = arith.index_cast %add3A_413 : i32 to index
        %get3A_415 = tpu.vector_load %arg7[%get3A_414] {strides = array<i32>} : memref<16384xf32, #tpu.memory_space<vmem>>, vector<16xf32>,
        %add3A_416 = arith.addf %get3A_387, %gather3A : vector<16xf32>
        %add3A_417 = arith.constant 0 : i32
        %add3A_418 = arith.addi %mul3A_337, %add3A_417 : i32
        %swap3A = arith.index_cast %add3A_418 : i32 to index
        %swap3A_419 = tpu.vector_load %arg7[%swap3A] {strides = array<i32>} : memref<16384xf32, #tpu.memory_space<vmem>>, vector<16xf32>,
        tpu.vector_store %arg7[%swap3A], %add3A_416 {strides = array<i32>} : memref<16384xf32, #tpu.memory_space<vmem>>, vector<16xf32>,
        %add3A_420 = arith.addf %get3A_391, %gather3A_347 : vector<16xf32>
        %add3A_421 = arith.constant 16 : i32
        %add3A_422 = arith.addi %mul3A_337, %add3A_421 : i32
        %swap3A_423 = arith.index_cast %add3A_422 : i32 to index
        %swap3A_424 = tpu.vector_load %arg7[%swap3A_423] {strides = array<i32>} : memref<16384xf32, #tpu.memory_space<vmem>>, vector<16xf32>,
        tpu.vector_store %arg7[%swap3A_423], %add3A_420 {strides = array<i32>} : memref<16384xf32, #tpu.memory_space<vmem>>, vector<16xf32>,
        %add3A_425 = arith.addf %get3A_395, %gather3A_353 : vector<16xf32>
        %add3A_426 = arith.constant 32 : i32
        %add3A_427 = arith.addi %mul3A_337, %add3A_426 : i32
        %swap3A_428 = arith.index_cast %add3A_427 : i32 to index
        %swap3A_429 = tpu.vector_load %arg7[%swap3A_428] {strides = array<i32>} : memref<16384xf32, #tpu.memory_space<vmem>>, vector<16xf32>,
        tpu.vector_store %arg7[%swap3A_428], %add3A_425 {strides = array<i32>} : memref<16384xf32, #tpu.memory_space<vmem>>, vector<16xf32>,
        %add3A_430 = arith.addf %get3A_399, %gather3A_359 : vector<16xf32>
        %add3A_431 = arith.constant 48 : i32
        %add3A_432 = arith.addi %mul3A_337, %add3A_431 : i32
        %swap3A_433 = arith.index_cast %add3A_432 : i32 to index
        %swap3A_434 = tpu.vector_load %arg7[%swap3A_433] {strides = array<i32>} : memref<16384xf32, #tpu.memory_space<vmem>>, vector<16xf32>,
        tpu.vector_store %arg7[%swap3A_433], %add3A_430 {strides = array<i32>} : memref<16384xf32, #tpu.memory_space<vmem>>, vector<16xf32>,
        %add3A_435 = arith.addf %get3A_403, %gather3A_365 : vector<16xf32>
        %add3A_436 = arith.constant 64 : i32
        %add3A_437 = arith.addi %mul3A_337, %add3A_436 : i32
        %swap3A_438 = arith.index_cast %add3A_437 : i32 to index
        %swap3A_439 = tpu.vector_load %arg7[%swap3A_438] {strides = array<i32>} : memref<16384xf32, #tpu.memory_space<vmem>>, vector<16xf32>,
        tpu.vector_store %arg7[%swap3A_438], %add3A_435 {strides = array<i32>} : memref<16384xf32, #tpu.memory_space<vmem>>, vector<16xf32>,
        %add3A_440 = arith.addf %get3A_407, %gather3A_371 : vector<16xf32>
        %add3A_441 = arith.constant 80 : i32
        %add3A_442 = arith.addi %mul3A_337, %add3A_441 : i32
        %swap3A_443 = arith.index_cast %add3A_442 : i32 to index
        %swap3A_444 = tpu.vector_load %arg7[%swap3A_443] {strides = array<i32>} : memref<16384xf32, #tpu.memory_space<vmem>>, vector<16xf32>,
        tpu.vector_store %arg7[%swap3A_443], %add3A_440 {strides = array<i32>} : memref<16384xf32, #tpu.memory_space<vmem>>, vector<16xf32>,
        %add3A_445 = arith.addf %get3A_411, %gather3A_377 : vector<16xf32>
        %add3A_446 = arith.constant 96 : i32
        %add3A_447 = arith.addi %mul3A_337, %add3A_446 : i32
        %swap3A_448 = arith.index_cast %add3A_447 : i32 to index
        %swap3A_449 = tpu.vector_load %arg7[%swap3A_448] {strides = array<i32>} : memref<16384xf32, #tpu.memory_space<vmem>>, vector<16xf32>,
        tpu.vector_store %arg7[%swap3A_448], %add3A_445 {strides = array<i32>} : memref<16384xf32, #tpu.memory_space<vmem>>, vector<16xf32>,
        %add3A_450 = arith.addf %get3A_415, %gather3A_383 : vector<16xf32>
        %add3A_451 = arith.constant 112 : i32
        %add3A_452 = arith.addi %mul3A_337, %add3A_451 : i32
        %swap3A_453 = arith.index_cast %add3A_452 : i32 to index
        %swap3A_454 = tpu.vector_load %arg7[%swap3A_453] {strides = array<i32>} : memref<16384xf32, #tpu.memory_space<vmem>>, vector<16xf32>,
        tpu.vector_store %arg7[%swap3A_453], %add3A_450 {strides = array<i32>} : memref<16384xf32, #tpu.memory_space<vmem>>, vector<16xf32>,
      }
      %scan3A_229 = arith.constant 32 : i32
      %dma_wait3A_230 = arith.constant 1 : i32
      %dma_wait3A_231 = arith.constant 0 : i32
      %dma_wait3A_232 = arith.constant 0 : i32
      %dma_wait3A_233 = tpu.memref_slice %arg6[%dma_wait3A_230, %dma_wait3A_231, %dma_wait3A_232] : memref<2x32x128xi32, #tpu.memory_space<vmem>> -> memref<1x32x128xi32, #tpu.memory_space<vmem>>
      %dma_wait3A_234 = tpu.memref_squeeze %dma_wait3A_233 : memref<1x32x128xi32, #tpu.memory_space<vmem>> -> memref<32x128xi32, #tpu.memory_space<vmem>>
      %dma_wait3A_235 = arith.constant 32 : i32
      %dma_wait3A_236 = arith.constant 0 : i32
      %dma_wait3A_237 = tpu.memref_slice %arg3[%scan3A_172, %dma_wait3A_235, %dma_wait3A_236] : memref<26x128x128xi32, #tpu.memory_space<hbm>> -> memref<1x32x128xi32, #tpu.memory_space<hbm>>
      %dma_wait3A_238 = tpu.memref_squeeze %dma_wait3A_237 : memref<1x32x128xi32, #tpu.memory_space<hbm>> -> memref<32x128xi32, #tpu.memory_space<hbm>>
      %dma_wait3A_239 = arith.constant 0 : i32
      %dma_wait3A_240 = arith.constant 0 : i32
      %dma_wait3A_241 = tpu.memref_slice %arg6[%dma_wait3A_230, %dma_wait3A_239, %dma_wait3A_240] : memref<2x32x128xi32, #tpu.memory_space<vmem>> -> memref<1x32x128xi32, #tpu.memory_space<vmem>>
      %dma_wait3A_242 = tpu.memref_squeeze %dma_wait3A_241 : memref<1x32x128xi32, #tpu.memory_space<vmem>> -> memref<32x128xi32, #tpu.memory_space<vmem>>
      %dma_wait3A_243 = arith.constant 32 : i32
      %dma_wait3A_244 = arith.constant 0 : i32
      %dma_wait3A_245 = tpu.memref_slice %arg3[%scan3A_172, %dma_wait3A_243, %dma_wait3A_244] : memref<26x128x128xi32, #tpu.memory_space<hbm>> -> memref<1x32x128xi32, #tpu.memory_space<hbm>>
      %dma_wait3A_246 = tpu.memref_squeeze %dma_wait3A_245 : memref<1x32x128xi32, #tpu.memory_space<hbm>> -> memref<32x128xi32, #tpu.memory_space<hbm>>
      tpu.wait_dma2 semaphore(%arg9 : memref<!tpu.dma_semaphore, #tpu.memory_space<semaphore_mem>>) src(%dma_wait3A_246 : memref<32x128xi32, #tpu.memory_space<hbm>>) dst(%dma_wait3A_242 : memref<32x128xi32, #tpu.memory_space<vmem>>)
      %dma_start3A_247 = arith.constant 0 : i32
      %dma_start3A_248 = arith.constant 0 : i32
      %dma_start3A_249 = arith.constant 0 : i32
      %dma_start3A_250 = tpu.memref_slice %arg6[%dma_start3A_247, %dma_start3A_248, %dma_start3A_249] : memref<2x32x128xi32, #tpu.memory_space<vmem>> -> memref<1x32x128xi32, #tpu.memory_space<vmem>>
      %dma_start3A_251 = tpu.memref_squeeze %dma_start3A_250 : memref<1x32x128xi32, #tpu.memory_space<vmem>> -> memref<32x128xi32, #tpu.memory_space<vmem>>
      %dma_start3A_252 = arith.constant 64 : i32
      %dma_start3A_253 = arith.constant 0 : i32
      %dma_start3A_254 = tpu.memref_slice %arg3[%scan3A_172, %dma_start3A_252, %dma_start3A_253] : memref<26x128x128xi32, #tpu.memory_space<hbm>> -> memref<1x32x128xi32, #tpu.memory_space<hbm>>
      %dma_start3A_255 = tpu.memref_squeeze %dma_start3A_254 : memref<1x32x128xi32, #tpu.memory_space<hbm>> -> memref<32x128xi32, #tpu.memory_space<hbm>>
      %dma_start3A_256 = arith.constant 0 : i32
      %dma_start3A_257 = arith.constant 0 : i32
      %dma_start3A_258 = tpu.memref_slice %arg6[%dma_start3A_247, %dma_start3A_256, %dma_start3A_257] : memref<2x32x128xi32, #tpu.memory_space<vmem>> -> memref<1x32x128xi32, #tpu.memory_space<vmem>>
      %dma_start3A_259 = tpu.memref_squeeze %dma_start3A_258 : memref<1x32x128xi32, #tpu.memory_space<vmem>> -> memref<32x128xi32, #tpu.memory_space<vmem>>
      %dma_start3A_260 = arith.constant 64 : i32
      %dma_start3A_261 = arith.constant 0 : i32
      %dma_start3A_262 = tpu.memref_slice %arg3[%scan3A_172, %dma_start3A_260, %dma_start3A_261] : memref<26x128x128xi32, #tpu.memory_space<hbm>> -> memref<1x32x128xi32, #tpu.memory_space<hbm>>
      %dma_start3A_263 = tpu.memref_squeeze %dma_start3A_262 : memref<1x32x128xi32, #tpu.memory_space<hbm>> -> memref<32x128xi32, #tpu.memory_space<hbm>>
      tpu.enqueue_dma source(%dma_start3A_263 : memref<32x128xi32, #tpu.memory_space<hbm>>) target(%dma_start3A_259 : memref<32x128xi32, #tpu.memory_space<vmem>>) target_semaphore(%arg8 : memref<!tpu.dma_semaphore, #tpu.memory_space<semaphore_mem>>)
      %scan3A_264 = arith.constant 0 : i32
      %scan3A_265 = arith.constant 0 : i32
      %scan3A_266 = arith.constant 32 : i32
      %scan3A_267 = arith.addi %scan3A_265, %scan3A_266 : i32
      %scan3A_268 = arith.constant 1 : i32
      scf.for %scan3A_333 = %scan3A_265 to %scan3A_267 step %scan3A_268  : i32 {
        %add3A_334 = arith.constant 32 : i32
        %add3A_335 = arith.addi %add3A_334, %scan3A_333 : i32
        %mul3A_336 = arith.constant 128 : i32
        %mul3A_337 = arith.muli %add3A_335, %mul3A_336 : i32
        %get3A = arith.constant 1 : i32
        %get3A_338 = arith.index_cast %get3A : i32 to index
        %get3A_339 = arith.index_cast %scan3A_333 : i32 to index
        %get3A_340 = arith.constant 0 : index
        %get3A_341 = tpu.vector_load %arg6[%get3A_338, %get3A_339, %get3A_340] {strides = array<i32>} : memref<2x32x128xi32, #tpu.memory_space<vmem>>, vector<16xi32>,
        %gather3A = tpu.vector_load_idx %arg5[%get3A_341] : memref<100001xf32, #tpu.memory_space<vmem>>[vector<16xi32>], vector<16xf32>,
        %get3A_342 = arith.constant 1 : i32
        %get3A_343 = arith.index_cast %get3A_342 : i32 to index
        %get3A_344 = arith.index_cast %scan3A_333 : i32 to index
        %get3A_345 = arith.constant 16 : index
        %get3A_346 = tpu.vector_load %arg6[%get3A_343, %get3A_344, %get3A_345] {strides = array<i32>} : memref<2x32x128xi32, #tpu.memory_space<vmem>>, vector<16xi32>,
        %gather3A_347 = tpu.vector_load_idx %arg5[%get3A_346] : memref<100001xf32, #tpu.memory_space<vmem>>[vector<16xi32>], vector<16xf32>,
        %get3A_348 = arith.constant 1 : i32
        %get3A_349 = arith.index_cast %get3A_348 : i32 to index
        %get3A_350 = arith.index_cast %scan3A_333 : i32 to index
        %get3A_351 = arith.constant 32 : index
        %get3A_352 = tpu.vector_load %arg6[%get3A_349, %get3A_350, %get3A_351] {strides = array<i32>} : memref<2x32x128xi32, #tpu.memory_space<vmem>>, vector<16xi32>,
        %gather3A_353 = tpu.vector_load_idx %arg5[%get3A_352] : memref<100001xf32, #tpu.memory_space<vmem>>[vector<16xi32>], vector<16xf32>,
        %get3A_354 = arith.constant 1 : i32
        %get3A_355 = arith.index_cast %get3A_354 : i32 to index
        %get3A_356 = arith.index_cast %scan3A_333 : i32 to index
        %get3A_357 = arith.constant 48 : index
        %get3A_358 = tpu.vector_load %arg6[%get3A_355, %get3A_356, %get3A_357] {strides = array<i32>} : memref<2x32x128xi32, #tpu.memory_space<vmem>>, vector<16xi32>,
        %gather3A_359 = tpu.vector_load_idx %arg5[%get3A_358] : memref<100001xf32, #tpu.memory_space<vmem>>[vector<16xi32>], vector<16xf32>,
        %get3A_360 = arith.constant 1 : i32
        %get3A_361 = arith.index_cast %get3A_360 : i32 to index
        %get3A_362 = arith.index_cast %scan3A_333 : i32 to index
        %get3A_363 = arith.constant 64 : index
        %get3A_364 = tpu.vector_load %arg6[%get3A_361, %get3A_362, %get3A_363] {strides = array<i32>} : memref<2x32x128xi32, #tpu.memory_space<vmem>>, vector<16xi32>,
        %gather3A_365 = tpu.vector_load_idx %arg5[%get3A_364] : memref<100001xf32, #tpu.memory_space<vmem>>[vector<16xi32>], vector<16xf32>,
        %get3A_366 = arith.constant 1 : i32
        %get3A_367 = arith.index_cast %get3A_366 : i32 to index
        %get3A_368 = arith.index_cast %scan3A_333 : i32 to index
        %get3A_369 = arith.constant 80 : index
        %get3A_370 = tpu.vector_load %arg6[%get3A_367, %get3A_368, %get3A_369] {strides = array<i32>} : memref<2x32x128xi32, #tpu.memory_space<vmem>>, vector<16xi32>,
        %gather3A_371 = tpu.vector_load_idx %arg5[%get3A_370] : memref<100001xf32, #tpu.memory_space<vmem>>[vector<16xi32>], vector<16xf32>,
        %get3A_372 = arith.constant 1 : i32
        %get3A_373 = arith.index_cast %get3A_372 : i32 to index
        %get3A_374 = arith.index_cast %scan3A_333 : i32 to index
        %get3A_375 = arith.constant 96 : index
        %get3A_376 = tpu.vector_load %arg6[%get3A_373, %get3A_374, %get3A_375] {strides = array<i32>} : memref<2x32x128xi32, #tpu.memory_space<vmem>>, vector<16xi32>,
        %gather3A_377 = tpu.vector_load_idx %arg5[%get3A_376] : memref<100001xf32, #tpu.memory_space<vmem>>[vector<16xi32>], vector<16xf32>,
        %get3A_378 = arith.constant 1 : i32
        %get3A_379 = arith.index_cast %get3A_378 : i32 to index
        %get3A_380 = arith.index_cast %scan3A_333 : i32 to index
        %get3A_381 = arith.constant 112 : index
        %get3A_382 = tpu.vector_load %arg6[%get3A_379, %get3A_380, %get3A_381] {strides = array<i32>} : memref<2x32x128xi32, #tpu.memory_space<vmem>>, vector<16xi32>,
        %gather3A_383 = tpu.vector_load_idx %arg5[%get3A_382] : memref<100001xf32, #tpu.memory_space<vmem>>[vector<16xi32>], vector<16xf32>,
        %add3A_384 = arith.constant 0 : i32
        %add3A_385 = arith.addi %mul3A_337, %add3A_384 : i32
        %get3A_386 = arith.index_cast %add3A_385 : i32 to index
        %get3A_387 = tpu.vector_load %arg7[%get3A_386] {strides = array<i32>} : memref<16384xf32, #tpu.memory_space<vmem>>, vector<16xf32>,
        %add3A_388 = arith.constant 16 : i32
        %add3A_389 = arith.addi %mul3A_337, %add3A_388 : i32
        %get3A_390 = arith.index_cast %add3A_389 : i32 to index
        %get3A_391 = tpu.vector_load %arg7[%get3A_390] {strides = array<i32>} : memref<16384xf32, #tpu.memory_space<vmem>>, vector<16xf32>,
        %add3A_392 = arith.constant 32 : i32
        %add3A_393 = arith.addi %mul3A_337, %add3A_392 : i32
        %get3A_394 = arith.index_cast %add3A_393 : i32 to index
        %get3A_395 = tpu.vector_load %arg7[%get3A_394] {strides = array<i32>} : memref<16384xf32, #tpu.memory_space<vmem>>, vector<16xf32>,
        %add3A_396 = arith.constant 48 : i32
        %add3A_397 = arith.addi %mul3A_337, %add3A_396 : i32
        %get3A_398 = arith.index_cast %add3A_397 : i32 to index
        %get3A_399 = tpu.vector_load %arg7[%get3A_398] {strides = array<i32>} : memref<16384xf32, #tpu.memory_space<vmem>>, vector<16xf32>,
        %add3A_400 = arith.constant 64 : i32
        %add3A_401 = arith.addi %mul3A_337, %add3A_400 : i32
        %get3A_402 = arith.index_cast %add3A_401 : i32 to index
        %get3A_403 = tpu.vector_load %arg7[%get3A_402] {strides = array<i32>} : memref<16384xf32, #tpu.memory_space<vmem>>, vector<16xf32>,
        %add3A_404 = arith.constant 80 : i32
        %add3A_405 = arith.addi %mul3A_337, %add3A_404 : i32
        %get3A_406 = arith.index_cast %add3A_405 : i32 to index
        %get3A_407 = tpu.vector_load %arg7[%get3A_406] {strides = array<i32>} : memref<16384xf32, #tpu.memory_space<vmem>>, vector<16xf32>,
        %add3A_408 = arith.constant 96 : i32
        %add3A_409 = arith.addi %mul3A_337, %add3A_408 : i32
        %get3A_410 = arith.index_cast %add3A_409 : i32 to index
        %get3A_411 = tpu.vector_load %arg7[%get3A_410] {strides = array<i32>} : memref<16384xf32, #tpu.memory_space<vmem>>, vector<16xf32>,
        %add3A_412 = arith.constant 112 : i32
        %add3A_413 = arith.addi %mul3A_337, %add3A_412 : i32
        %get3A_414 = arith.index_cast %add3A_413 : i32 to index
        %get3A_415 = tpu.vector_load %arg7[%get3A_414] {strides = array<i32>} : memref<16384xf32, #tpu.memory_space<vmem>>, vector<16xf32>,
        %add3A_416 = arith.addf %get3A_387, %gather3A : vector<16xf32>
        %add3A_417 = arith.constant 0 : i32
        %add3A_418 = arith.addi %mul3A_337, %add3A_417 : i32
        %swap3A = arith.index_cast %add3A_418 : i32 to index
        %swap3A_419 = tpu.vector_load %arg7[%swap3A] {strides = array<i32>} : memref<16384xf32, #tpu.memory_space<vmem>>, vector<16xf32>,
        tpu.vector_store %arg7[%swap3A], %add3A_416 {strides = array<i32>} : memref<16384xf32, #tpu.memory_space<vmem>>, vector<16xf32>,
        %add3A_420 = arith.addf %get3A_391, %gather3A_347 : vector<16xf32>
        %add3A_421 = arith.constant 16 : i32
        %add3A_422 = arith.addi %mul3A_337, %add3A_421 : i32
        %swap3A_423 = arith.index_cast %add3A_422 : i32 to index
        %swap3A_424 = tpu.vector_load %arg7[%swap3A_423] {strides = array<i32>} : memref<16384xf32, #tpu.memory_space<vmem>>, vector<16xf32>,
        tpu.vector_store %arg7[%swap3A_423], %add3A_420 {strides = array<i32>} : memref<16384xf32, #tpu.memory_space<vmem>>, vector<16xf32>,
        %add3A_425 = arith.addf %get3A_395, %gather3A_353 : vector<16xf32>
        %add3A_426 = arith.constant 32 : i32
        %add3A_427 = arith.addi %mul3A_337, %add3A_426 : i32
        %swap3A_428 = arith.index_cast %add3A_427 : i32 to index
        %swap3A_429 = tpu.vector_load %arg7[%swap3A_428] {strides = array<i32>} : memref<16384xf32, #tpu.memory_space<vmem>>, vector<16xf32>,
        tpu.vector_store %arg7[%swap3A_428], %add3A_425 {strides = array<i32>} : memref<16384xf32, #tpu.memory_space<vmem>>, vector<16xf32>,
        %add3A_430 = arith.addf %get3A_399, %gather3A_359 : vector<16xf32>
        %add3A_431 = arith.constant 48 : i32
        %add3A_432 = arith.addi %mul3A_337, %add3A_431 : i32
        %swap3A_433 = arith.index_cast %add3A_432 : i32 to index
        %swap3A_434 = tpu.vector_load %arg7[%swap3A_433] {strides = array<i32>} : memref<16384xf32, #tpu.memory_space<vmem>>, vector<16xf32>,
        tpu.vector_store %arg7[%swap3A_433], %add3A_430 {strides = array<i32>} : memref<16384xf32, #tpu.memory_space<vmem>>, vector<16xf32>,
        %add3A_435 = arith.addf %get3A_403, %gather3A_365 : vector<16xf32>
        %add3A_436 = arith.constant 64 : i32
        %add3A_437 = arith.addi %mul3A_337, %add3A_436 : i32
        %swap3A_438 = arith.index_cast %add3A_437 : i32 to index
        %swap3A_439 = tpu.vector_load %arg7[%swap3A_438] {strides = array<i32>} : memref<16384xf32, #tpu.memory_space<vmem>>, vector<16xf32>,
        tpu.vector_store %arg7[%swap3A_438], %add3A_435 {strides = array<i32>} : memref<16384xf32, #tpu.memory_space<vmem>>, vector<16xf32>,
        %add3A_440 = arith.addf %get3A_407, %gather3A_371 : vector<16xf32>
        %add3A_441 = arith.constant 80 : i32
        %add3A_442 = arith.addi %mul3A_337, %add3A_441 : i32
        %swap3A_443 = arith.index_cast %add3A_442 : i32 to index
        %swap3A_444 = tpu.vector_load %arg7[%swap3A_443] {strides = array<i32>} : memref<16384xf32, #tpu.memory_space<vmem>>, vector<16xf32>,
        tpu.vector_store %arg7[%swap3A_443], %add3A_440 {strides = array<i32>} : memref<16384xf32, #tpu.memory_space<vmem>>, vector<16xf32>,
        %add3A_445 = arith.addf %get3A_411, %gather3A_377 : vector<16xf32>
        %add3A_446 = arith.constant 96 : i32
        %add3A_447 = arith.addi %mul3A_337, %add3A_446 : i32
        %swap3A_448 = arith.index_cast %add3A_447 : i32 to index
        %swap3A_449 = tpu.vector_load %arg7[%swap3A_448] {strides = array<i32>} : memref<16384xf32, #tpu.memory_space<vmem>>, vector<16xf32>,
        tpu.vector_store %arg7[%swap3A_448], %add3A_445 {strides = array<i32>} : memref<16384xf32, #tpu.memory_space<vmem>>, vector<16xf32>,
        %add3A_450 = arith.addf %get3A_415, %gather3A_383 : vector<16xf32>
        %add3A_451 = arith.constant 112 : i32
        %add3A_452 = arith.addi %mul3A_337, %add3A_451 : i32
        %swap3A_453 = arith.index_cast %add3A_452 : i32 to index
        %swap3A_454 = tpu.vector_load %arg7[%swap3A_453] {strides = array<i32>} : memref<16384xf32, #tpu.memory_space<vmem>>, vector<16xf32>,
        tpu.vector_store %arg7[%swap3A_453], %add3A_450 {strides = array<i32>} : memref<16384xf32, #tpu.memory_space<vmem>>, vector<16xf32>,
      }
      %scan3A_269 = arith.constant 32 : i32
      %dma_wait3A_270 = arith.constant 0 : i32
      %dma_wait3A_271 = arith.constant 0 : i32
      %dma_wait3A_272 = arith.constant 0 : i32
      %dma_wait3A_273 = tpu.memref_slice %arg6[%dma_wait3A_270, %dma_wait3A_271, %dma_wait3A_272] : memref<2x32x128xi32, #tpu.memory_space<vmem>> -> memref<1x32x128xi32, #tpu.memory_space<vmem>>
      %dma_wait3A_274 = tpu.memref_squeeze %dma_wait3A_273 : memref<1x32x128xi32, #tpu.memory_space<vmem>> -> memref<32x128xi32, #tpu.memory_space<vmem>>
      %dma_wait3A_275 = arith.constant 64 : i32
      %dma_wait3A_276 = arith.constant 0 : i32
      %dma_wait3A_277 = tpu.memref_slice %arg3[%scan3A_172, %dma_wait3A_275, %dma_wait3A_276] : memref<26x128x128xi32, #tpu.memory_space<hbm>> -> memref<1x32x128xi32, #tpu.memory_space<hbm>>
      %dma_wait3A_278 = tpu.memref_squeeze %dma_wait3A_277 : memref<1x32x128xi32, #tpu.memory_space<hbm>> -> memref<32x128xi32, #tpu.memory_space<hbm>>
      %dma_wait3A_279 = arith.constant 0 : i32
      %dma_wait3A_280 = arith.constant 0 : i32
      %dma_wait3A_281 = tpu.memref_slice %arg6[%dma_wait3A_270, %dma_wait3A_279, %dma_wait3A_280] : memref<2x32x128xi32, #tpu.memory_space<vmem>> -> memref<1x32x128xi32, #tpu.memory_space<vmem>>
      %dma_wait3A_282 = tpu.memref_squeeze %dma_wait3A_281 : memref<1x32x128xi32, #tpu.memory_space<vmem>> -> memref<32x128xi32, #tpu.memory_space<vmem>>
      %dma_wait3A_283 = arith.constant 64 : i32
      %dma_wait3A_284 = arith.constant 0 : i32
      %dma_wait3A_285 = tpu.memref_slice %arg3[%scan3A_172, %dma_wait3A_283, %dma_wait3A_284] : memref<26x128x128xi32, #tpu.memory_space<hbm>> -> memref<1x32x128xi32, #tpu.memory_space<hbm>>
      %dma_wait3A_286 = tpu.memref_squeeze %dma_wait3A_285 : memref<1x32x128xi32, #tpu.memory_space<hbm>> -> memref<32x128xi32, #tpu.memory_space<hbm>>
      tpu.wait_dma2 semaphore(%arg8 : memref<!tpu.dma_semaphore, #tpu.memory_space<semaphore_mem>>) src(%dma_wait3A_286 : memref<32x128xi32, #tpu.memory_space<hbm>>) dst(%dma_wait3A_282 : memref<32x128xi32, #tpu.memory_space<vmem>>)
      %dma_start3A_287 = arith.constant 1 : i32
      %dma_start3A_288 = arith.constant 0 : i32
      %dma_start3A_289 = arith.constant 0 : i32
      %dma_start3A_290 = tpu.memref_slice %arg6[%dma_start3A_287, %dma_start3A_288, %dma_start3A_289] : memref<2x32x128xi32, #tpu.memory_space<vmem>> -> memref<1x32x128xi32, #tpu.memory_space<vmem>>
      %dma_start3A_291 = tpu.memref_squeeze %dma_start3A_290 : memref<1x32x128xi32, #tpu.memory_space<vmem>> -> memref<32x128xi32, #tpu.memory_space<vmem>>
      %dma_start3A_292 = arith.constant 96 : i32
      %dma_start3A_293 = arith.constant 0 : i32
      %dma_start3A_294 = tpu.memref_slice %arg3[%scan3A_172, %dma_start3A_292, %dma_start3A_293] : memref<26x128x128xi32, #tpu.memory_space<hbm>> -> memref<1x32x128xi32, #tpu.memory_space<hbm>>
      %dma_start3A_295 = tpu.memref_squeeze %dma_start3A_294 : memref<1x32x128xi32, #tpu.memory_space<hbm>> -> memref<32x128xi32, #tpu.memory_space<hbm>>
      %dma_start3A_296 = arith.constant 0 : i32
      %dma_start3A_297 = arith.constant 0 : i32
      %dma_start3A_298 = tpu.memref_slice %arg6[%dma_start3A_287, %dma_start3A_296, %dma_start3A_297] : memref<2x32x128xi32, #tpu.memory_space<vmem>> -> memref<1x32x128xi32, #tpu.memory_space<vmem>>
      %dma_start3A_299 = tpu.memref_squeeze %dma_start3A_298 : memref<1x32x128xi32, #tpu.memory_space<vmem>> -> memref<32x128xi32, #tpu.memory_space<vmem>>
      %dma_start3A_300 = arith.constant 96 : i32
      %dma_start3A_301 = arith.constant 0 : i32
      %dma_start3A_302 = tpu.memref_slice %arg3[%scan3A_172, %dma_start3A_300, %dma_start3A_301] : memref<26x128x128xi32, #tpu.memory_space<hbm>> -> memref<1x32x128xi32, #tpu.memory_space<hbm>>
      %dma_start3A_303 = tpu.memref_squeeze %dma_start3A_302 : memref<1x32x128xi32, #tpu.memory_space<hbm>> -> memref<32x128xi32, #tpu.memory_space<hbm>>
      tpu.enqueue_dma source(%dma_start3A_303 : memref<32x128xi32, #tpu.memory_space<hbm>>) target(%dma_start3A_299 : memref<32x128xi32, #tpu.memory_space<vmem>>) target_semaphore(%arg9 : memref<!tpu.dma_semaphore, #tpu.memory_space<semaphore_mem>>)
      %scan3A_304 = arith.constant 0 : i32
      %scan3A_305 = arith.constant 0 : i32
      %scan3A_306 = arith.constant 32 : i32
      %scan3A_307 = arith.addi %scan3A_305, %scan3A_306 : i32
      %scan3A_308 = arith.constant 1 : i32
      scf.for %scan3A_333 = %scan3A_305 to %scan3A_307 step %scan3A_308  : i32 {
        %add3A_334 = arith.constant 64 : i32
        %add3A_335 = arith.addi %add3A_334, %scan3A_333 : i32
        %mul3A_336 = arith.constant 128 : i32
        %mul3A_337 = arith.muli %add3A_335, %mul3A_336 : i32
        %get3A = arith.constant 0 : i32
        %get3A_338 = arith.index_cast %get3A : i32 to index
        %get3A_339 = arith.index_cast %scan3A_333 : i32 to index
        %get3A_340 = arith.constant 0 : index
        %get3A_341 = tpu.vector_load %arg6[%get3A_338, %get3A_339, %get3A_340] {strides = array<i32>} : memref<2x32x128xi32, #tpu.memory_space<vmem>>, vector<16xi32>,
        %gather3A = tpu.vector_load_idx %arg5[%get3A_341] : memref<100001xf32, #tpu.memory_space<vmem>>[vector<16xi32>], vector<16xf32>,
        %get3A_342 = arith.constant 0 : i32
        %get3A_343 = arith.index_cast %get3A_342 : i32 to index
        %get3A_344 = arith.index_cast %scan3A_333 : i32 to index
        %get3A_345 = arith.constant 16 : index
        %get3A_346 = tpu.vector_load %arg6[%get3A_343, %get3A_344, %get3A_345] {strides = array<i32>} : memref<2x32x128xi32, #tpu.memory_space<vmem>>, vector<16xi32>,
        %gather3A_347 = tpu.vector_load_idx %arg5[%get3A_346] : memref<100001xf32, #tpu.memory_space<vmem>>[vector<16xi32>], vector<16xf32>,
        %get3A_348 = arith.constant 0 : i32
        %get3A_349 = arith.index_cast %get3A_348 : i32 to index
        %get3A_350 = arith.index_cast %scan3A_333 : i32 to index
        %get3A_351 = arith.constant 32 : index
        %get3A_352 = tpu.vector_load %arg6[%get3A_349, %get3A_350, %get3A_351] {strides = array<i32>} : memref<2x32x128xi32, #tpu.memory_space<vmem>>, vector<16xi32>,
        %gather3A_353 = tpu.vector_load_idx %arg5[%get3A_352] : memref<100001xf32, #tpu.memory_space<vmem>>[vector<16xi32>], vector<16xf32>,
        %get3A_354 = arith.constant 0 : i32
        %get3A_355 = arith.index_cast %get3A_354 : i32 to index
        %get3A_356 = arith.index_cast %scan3A_333 : i32 to index
        %get3A_357 = arith.constant 48 : index
        %get3A_358 = tpu.vector_load %arg6[%get3A_355, %get3A_356, %get3A_357] {strides = array<i32>} : memref<2x32x128xi32, #tpu.memory_space<vmem>>, vector<16xi32>,
        %gather3A_359 = tpu.vector_load_idx %arg5[%get3A_358] : memref<100001xf32, #tpu.memory_space<vmem>>[vector<16xi32>], vector<16xf32>,
        %get3A_360 = arith.constant 0 : i32
        %get3A_361 = arith.index_cast %get3A_360 : i32 to index
        %get3A_362 = arith.index_cast %scan3A_333 : i32 to index
        %get3A_363 = arith.constant 64 : index
        %get3A_364 = tpu.vector_load %arg6[%get3A_361, %get3A_362, %get3A_363] {strides = array<i32>} : memref<2x32x128xi32, #tpu.memory_space<vmem>>, vector<16xi32>,
        %gather3A_365 = tpu.vector_load_idx %arg5[%get3A_364] : memref<100001xf32, #tpu.memory_space<vmem>>[vector<16xi32>], vector<16xf32>,
        %get3A_366 = arith.constant 0 : i32
        %get3A_367 = arith.index_cast %get3A_366 : i32 to index
        %get3A_368 = arith.index_cast %scan3A_333 : i32 to index
        %get3A_369 = arith.constant 80 : index
        %get3A_370 = tpu.vector_load %arg6[%get3A_367, %get3A_368, %get3A_369] {strides = array<i32>} : memref<2x32x128xi32, #tpu.memory_space<vmem>>, vector<16xi32>,
        %gather3A_371 = tpu.vector_load_idx %arg5[%get3A_370] : memref<100001xf32, #tpu.memory_space<vmem>>[vector<16xi32>], vector<16xf32>,
        %get3A_372 = arith.constant 0 : i32
        %get3A_373 = arith.index_cast %get3A_372 : i32 to index
        %get3A_374 = arith.index_cast %scan3A_333 : i32 to index
        %get3A_375 = arith.constant 96 : index
        %get3A_376 = tpu.vector_load %arg6[%get3A_373, %get3A_374, %get3A_375] {strides = array<i32>} : memref<2x32x128xi32, #tpu.memory_space<vmem>>, vector<16xi32>,
        %gather3A_377 = tpu.vector_load_idx %arg5[%get3A_376] : memref<100001xf32, #tpu.memory_space<vmem>>[vector<16xi32>], vector<16xf32>,
        %get3A_378 = arith.constant 0 : i32
        %get3A_379 = arith.index_cast %get3A_378 : i32 to index
        %get3A_380 = arith.index_cast %scan3A_333 : i32 to index
        %get3A_381 = arith.constant 112 : index
        %get3A_382 = tpu.vector_load %arg6[%get3A_379, %get3A_380, %get3A_381] {strides = array<i32>} : memref<2x32x128xi32, #tpu.memory_space<vmem>>, vector<16xi32>,
        %gather3A_383 = tpu.vector_load_idx %arg5[%get3A_382] : memref<100001xf32, #tpu.memory_space<vmem>>[vector<16xi32>], vector<16xf32>,
        %add3A_384 = arith.constant 0 : i32
        %add3A_385 = arith.addi %mul3A_337, %add3A_384 : i32
        %get3A_386 = arith.index_cast %add3A_385 : i32 to index
        %get3A_387 = tpu.vector_load %arg7[%get3A_386] {strides = array<i32>} : memref<16384xf32, #tpu.memory_space<vmem>>, vector<16xf32>,
        %add3A_388 = arith.constant 16 : i32
        %add3A_389 = arith.addi %mul3A_337, %add3A_388 : i32
        %get3A_390 = arith.index_cast %add3A_389 : i32 to index
        %get3A_391 = tpu.vector_load %arg7[%get3A_390] {strides = array<i32>} : memref<16384xf32, #tpu.memory_space<vmem>>, vector<16xf32>,
        %add3A_392 = arith.constant 32 : i32
        %add3A_393 = arith.addi %mul3A_337, %add3A_392 : i32
        %get3A_394 = arith.index_cast %add3A_393 : i32 to index
        %get3A_395 = tpu.vector_load %arg7[%get3A_394] {strides = array<i32>} : memref<16384xf32, #tpu.memory_space<vmem>>, vector<16xf32>,
        %add3A_396 = arith.constant 48 : i32
        %add3A_397 = arith.addi %mul3A_337, %add3A_396 : i32
        %get3A_398 = arith.index_cast %add3A_397 : i32 to index
        %get3A_399 = tpu.vector_load %arg7[%get3A_398] {strides = array<i32>} : memref<16384xf32, #tpu.memory_space<vmem>>, vector<16xf32>,
        %add3A_400 = arith.constant 64 : i32
        %add3A_401 = arith.addi %mul3A_337, %add3A_400 : i32
        %get3A_402 = arith.index_cast %add3A_401 : i32 to index
        %get3A_403 = tpu.vector_load %arg7[%get3A_402] {strides = array<i32>} : memref<16384xf32, #tpu.memory_space<vmem>>, vector<16xf32>,
        %add3A_404 = arith.constant 80 : i32
        %add3A_405 = arith.addi %mul3A_337, %add3A_404 : i32
        %get3A_406 = arith.index_cast %add3A_405 : i32 to index
        %get3A_407 = tpu.vector_load %arg7[%get3A_406] {strides = array<i32>} : memref<16384xf32, #tpu.memory_space<vmem>>, vector<16xf32>,
        %add3A_408 = arith.constant 96 : i32
        %add3A_409 = arith.addi %mul3A_337, %add3A_408 : i32
        %get3A_410 = arith.index_cast %add3A_409 : i32 to index
        %get3A_411 = tpu.vector_load %arg7[%get3A_410] {strides = array<i32>} : memref<16384xf32, #tpu.memory_space<vmem>>, vector<16xf32>,
        %add3A_412 = arith.constant 112 : i32
        %add3A_413 = arith.addi %mul3A_337, %add3A_412 : i32
        %get3A_414 = arith.index_cast %add3A_413 : i32 to index
        %get3A_415 = tpu.vector_load %arg7[%get3A_414] {strides = array<i32>} : memref<16384xf32, #tpu.memory_space<vmem>>, vector<16xf32>,
        %add3A_416 = arith.addf %get3A_387, %gather3A : vector<16xf32>
        %add3A_417 = arith.constant 0 : i32
        %add3A_418 = arith.addi %mul3A_337, %add3A_417 : i32
        %swap3A = arith.index_cast %add3A_418 : i32 to index
        %swap3A_419 = tpu.vector_load %arg7[%swap3A] {strides = array<i32>} : memref<16384xf32, #tpu.memory_space<vmem>>, vector<16xf32>,
        tpu.vector_store %arg7[%swap3A], %add3A_416 {strides = array<i32>} : memref<16384xf32, #tpu.memory_space<vmem>>, vector<16xf32>,
        %add3A_420 = arith.addf %get3A_391, %gather3A_347 : vector<16xf32>
        %add3A_421 = arith.constant 16 : i32
        %add3A_422 = arith.addi %mul3A_337, %add3A_421 : i32
        %swap3A_423 = arith.index_cast %add3A_422 : i32 to index
        %swap3A_424 = tpu.vector_load %arg7[%swap3A_423] {strides = array<i32>} : memref<16384xf32, #tpu.memory_space<vmem>>, vector<16xf32>,
        tpu.vector_store %arg7[%swap3A_423], %add3A_420 {strides = array<i32>} : memref<16384xf32, #tpu.memory_space<vmem>>, vector<16xf32>,
        %add3A_425 = arith.addf %get3A_395, %gather3A_353 : vector<16xf32>
        %add3A_426 = arith.constant 32 : i32
        %add3A_427 = arith.addi %mul3A_337, %add3A_426 : i32
        %swap3A_428 = arith.index_cast %add3A_427 : i32 to index
        %swap3A_429 = tpu.vector_load %arg7[%swap3A_428] {strides = array<i32>} : memref<16384xf32, #tpu.memory_space<vmem>>, vector<16xf32>,
        tpu.vector_store %arg7[%swap3A_428], %add3A_425 {strides = array<i32>} : memref<16384xf32, #tpu.memory_space<vmem>>, vector<16xf32>,
        %add3A_430 = arith.addf %get3A_399, %gather3A_359 : vector<16xf32>
        %add3A_431 = arith.constant 48 : i32
        %add3A_432 = arith.addi %mul3A_337, %add3A_431 : i32
        %swap3A_433 = arith.index_cast %add3A_432 : i32 to index
        %swap3A_434 = tpu.vector_load %arg7[%swap3A_433] {strides = array<i32>} : memref<16384xf32, #tpu.memory_space<vmem>>, vector<16xf32>,
        tpu.vector_store %arg7[%swap3A_433], %add3A_430 {strides = array<i32>} : memref<16384xf32, #tpu.memory_space<vmem>>, vector<16xf32>,
        %add3A_435 = arith.addf %get3A_403, %gather3A_365 : vector<16xf32>
        %add3A_436 = arith.constant 64 : i32
        %add3A_437 = arith.addi %mul3A_337, %add3A_436 : i32
        %swap3A_438 = arith.index_cast %add3A_437 : i32 to index
        %swap3A_439 = tpu.vector_load %arg7[%swap3A_438] {strides = array<i32>} : memref<16384xf32, #tpu.memory_space<vmem>>, vector<16xf32>,
        tpu.vector_store %arg7[%swap3A_438], %add3A_435 {strides = array<i32>} : memref<16384xf32, #tpu.memory_space<vmem>>, vector<16xf32>,
        %add3A_440 = arith.addf %get3A_407, %gather3A_371 : vector<16xf32>
        %add3A_441 = arith.constant 80 : i32
        %add3A_442 = arith.addi %mul3A_337, %add3A_441 : i32
        %swap3A_443 = arith.index_cast %add3A_442 : i32 to index
        %swap3A_444 = tpu.vector_load %arg7[%swap3A_443] {strides = array<i32>} : memref<16384xf32, #tpu.memory_space<vmem>>, vector<16xf32>,
        tpu.vector_store %arg7[%swap3A_443], %add3A_440 {strides = array<i32>} : memref<16384xf32, #tpu.memory_space<vmem>>, vector<16xf32>,
        %add3A_445 = arith.addf %get3A_411, %gather3A_377 : vector<16xf32>
        %add3A_446 = arith.constant 96 : i32
        %add3A_447 = arith.addi %mul3A_337, %add3A_446 : i32
        %swap3A_448 = arith.index_cast %add3A_447 : i32 to index
        %swap3A_449 = tpu.vector_load %arg7[%swap3A_448] {strides = array<i32>} : memref<16384xf32, #tpu.memory_space<vmem>>, vector<16xf32>,
        tpu.vector_store %arg7[%swap3A_448], %add3A_445 {strides = array<i32>} : memref<16384xf32, #tpu.memory_space<vmem>>, vector<16xf32>,
        %add3A_450 = arith.addf %get3A_415, %gather3A_383 : vector<16xf32>
        %add3A_451 = arith.constant 112 : i32
        %add3A_452 = arith.addi %mul3A_337, %add3A_451 : i32
        %swap3A_453 = arith.index_cast %add3A_452 : i32 to index
        %swap3A_454 = tpu.vector_load %arg7[%swap3A_453] {strides = array<i32>} : memref<16384xf32, #tpu.memory_space<vmem>>, vector<16xf32>,
        tpu.vector_store %arg7[%swap3A_453], %add3A_450 {strides = array<i32>} : memref<16384xf32, #tpu.memory_space<vmem>>, vector<16xf32>,
      }
      %scan3A_309 = arith.constant 32 : i32
      %dma_wait3A_310 = arith.constant 1 : i32
      %dma_wait3A_311 = arith.constant 0 : i32
      %dma_wait3A_312 = arith.constant 0 : i32
      %dma_wait3A_313 = tpu.memref_slice %arg6[%dma_wait3A_310, %dma_wait3A_311, %dma_wait3A_312] : memref<2x32x128xi32, #tpu.memory_space<vmem>> -> memref<1x32x128xi32, #tpu.memory_space<vmem>>
      %dma_wait3A_314 = tpu.memref_squeeze %dma_wait3A_313 : memref<1x32x128xi32, #tpu.memory_space<vmem>> -> memref<32x128xi32, #tpu.memory_space<vmem>>
      %dma_wait3A_315 = arith.constant 96 : i32
      %dma_wait3A_316 = arith.constant 0 : i32
      %dma_wait3A_317 = tpu.memref_slice %arg3[%scan3A_172, %dma_wait3A_315, %dma_wait3A_316] : memref<26x128x128xi32, #tpu.memory_space<hbm>> -> memref<1x32x128xi32, #tpu.memory_space<hbm>>
      %dma_wait3A_318 = tpu.memref_squeeze %dma_wait3A_317 : memref<1x32x128xi32, #tpu.memory_space<hbm>> -> memref<32x128xi32, #tpu.memory_space<hbm>>
      %dma_wait3A_319 = arith.constant 0 : i32
      %dma_wait3A_320 = arith.constant 0 : i32
      %dma_wait3A_321 = tpu.memref_slice %arg6[%dma_wait3A_310, %dma_wait3A_319, %dma_wait3A_320] : memref<2x32x128xi32, #tpu.memory_space<vmem>> -> memref<1x32x128xi32, #tpu.memory_space<vmem>>
      %dma_wait3A_322 = tpu.memref_squeeze %dma_wait3A_321 : memref<1x32x128xi32, #tpu.memory_space<vmem>> -> memref<32x128xi32, #tpu.memory_space<vmem>>
      %dma_wait3A_323 = arith.constant 96 : i32
      %dma_wait3A_324 = arith.constant 0 : i32
      %dma_wait3A_325 = tpu.memref_slice %arg3[%scan3A_172, %dma_wait3A_323, %dma_wait3A_324] : memref<26x128x128xi32, #tpu.memory_space<hbm>> -> memref<1x32x128xi32, #tpu.memory_space<hbm>>
      %dma_wait3A_326 = tpu.memref_squeeze %dma_wait3A_325 : memref<1x32x128xi32, #tpu.memory_space<hbm>> -> memref<32x128xi32, #tpu.memory_space<hbm>>
      tpu.wait_dma2 semaphore(%arg9 : memref<!tpu.dma_semaphore, #tpu.memory_space<semaphore_mem>>) src(%dma_wait3A_326 : memref<32x128xi32, #tpu.memory_space<hbm>>) dst(%dma_wait3A_322 : memref<32x128xi32, #tpu.memory_space<vmem>>)
      %scan3A_327 = arith.constant 0 : i32
      %scan3A_328 = arith.constant 0 : i32
      %scan3A_329 = arith.constant 32 : i32
      %scan3A_330 = arith.addi %scan3A_328, %scan3A_329 : i32
      %scan3A_331 = arith.constant 1 : i32
      scf.for %scan3A_333 = %scan3A_328 to %scan3A_330 step %scan3A_331  : i32 {
        %add3A_334 = arith.constant 96 : i32
        %add3A_335 = arith.addi %add3A_334, %scan3A_333 : i32
        %mul3A_336 = arith.constant 128 : i32
        %mul3A_337 = arith.muli %add3A_335, %mul3A_336 : i32
        %get3A = arith.constant 1 : i32
        %get3A_338 = arith.index_cast %get3A : i32 to index
        %get3A_339 = arith.index_cast %scan3A_333 : i32 to index
        %get3A_340 = arith.constant 0 : index
        %get3A_341 = tpu.vector_load %arg6[%get3A_338, %get3A_339, %get3A_340] {strides = array<i32>} : memref<2x32x128xi32, #tpu.memory_space<vmem>>, vector<16xi32>,
        %gather3A = tpu.vector_load_idx %arg5[%get3A_341] : memref<100001xf32, #tpu.memory_space<vmem>>[vector<16xi32>], vector<16xf32>,
        %get3A_342 = arith.constant 1 : i32
        %get3A_343 = arith.index_cast %get3A_342 : i32 to index
        %get3A_344 = arith.index_cast %scan3A_333 : i32 to index
        %get3A_345 = arith.constant 16 : index
        %get3A_346 = tpu.vector_load %arg6[%get3A_343, %get3A_344, %get3A_345] {strides = array<i32>} : memref<2x32x128xi32, #tpu.memory_space<vmem>>, vector<16xi32>,
        %gather3A_347 = tpu.vector_load_idx %arg5[%get3A_346] : memref<100001xf32, #tpu.memory_space<vmem>>[vector<16xi32>], vector<16xf32>,
        %get3A_348 = arith.constant 1 : i32
        %get3A_349 = arith.index_cast %get3A_348 : i32 to index
        %get3A_350 = arith.index_cast %scan3A_333 : i32 to index
        %get3A_351 = arith.constant 32 : index
        %get3A_352 = tpu.vector_load %arg6[%get3A_349, %get3A_350, %get3A_351] {strides = array<i32>} : memref<2x32x128xi32, #tpu.memory_space<vmem>>, vector<16xi32>,
        %gather3A_353 = tpu.vector_load_idx %arg5[%get3A_352] : memref<100001xf32, #tpu.memory_space<vmem>>[vector<16xi32>], vector<16xf32>,
        %get3A_354 = arith.constant 1 : i32
        %get3A_355 = arith.index_cast %get3A_354 : i32 to index
        %get3A_356 = arith.index_cast %scan3A_333 : i32 to index
        %get3A_357 = arith.constant 48 : index
        %get3A_358 = tpu.vector_load %arg6[%get3A_355, %get3A_356, %get3A_357] {strides = array<i32>} : memref<2x32x128xi32, #tpu.memory_space<vmem>>, vector<16xi32>,
        %gather3A_359 = tpu.vector_load_idx %arg5[%get3A_358] : memref<100001xf32, #tpu.memory_space<vmem>>[vector<16xi32>], vector<16xf32>,
        %get3A_360 = arith.constant 1 : i32
        %get3A_361 = arith.index_cast %get3A_360 : i32 to index
        %get3A_362 = arith.index_cast %scan3A_333 : i32 to index
        %get3A_363 = arith.constant 64 : index
        %get3A_364 = tpu.vector_load %arg6[%get3A_361, %get3A_362, %get3A_363] {strides = array<i32>} : memref<2x32x128xi32, #tpu.memory_space<vmem>>, vector<16xi32>,
        %gather3A_365 = tpu.vector_load_idx %arg5[%get3A_364] : memref<100001xf32, #tpu.memory_space<vmem>>[vector<16xi32>], vector<16xf32>,
        %get3A_366 = arith.constant 1 : i32
        %get3A_367 = arith.index_cast %get3A_366 : i32 to index
        %get3A_368 = arith.index_cast %scan3A_333 : i32 to index
        %get3A_369 = arith.constant 80 : index
        %get3A_370 = tpu.vector_load %arg6[%get3A_367, %get3A_368, %get3A_369] {strides = array<i32>} : memref<2x32x128xi32, #tpu.memory_space<vmem>>, vector<16xi32>,
        %gather3A_371 = tpu.vector_load_idx %arg5[%get3A_370] : memref<100001xf32, #tpu.memory_space<vmem>>[vector<16xi32>], vector<16xf32>,
        %get3A_372 = arith.constant 1 : i32
        %get3A_373 = arith.index_cast %get3A_372 : i32 to index
        %get3A_374 = arith.index_cast %scan3A_333 : i32 to index
        %get3A_375 = arith.constant 96 : index
        %get3A_376 = tpu.vector_load %arg6[%get3A_373, %get3A_374, %get3A_375] {strides = array<i32>} : memref<2x32x128xi32, #tpu.memory_space<vmem>>, vector<16xi32>,
        %gather3A_377 = tpu.vector_load_idx %arg5[%get3A_376] : memref<100001xf32, #tpu.memory_space<vmem>>[vector<16xi32>], vector<16xf32>,
        %get3A_378 = arith.constant 1 : i32
        %get3A_379 = arith.index_cast %get3A_378 : i32 to index
        %get3A_380 = arith.index_cast %scan3A_333 : i32 to index
        %get3A_381 = arith.constant 112 : index
        %get3A_382 = tpu.vector_load %arg6[%get3A_379, %get3A_380, %get3A_381] {strides = array<i32>} : memref<2x32x128xi32, #tpu.memory_space<vmem>>, vector<16xi32>,
        %gather3A_383 = tpu.vector_load_idx %arg5[%get3A_382] : memref<100001xf32, #tpu.memory_space<vmem>>[vector<16xi32>], vector<16xf32>,
        %add3A_384 = arith.constant 0 : i32
        %add3A_385 = arith.addi %mul3A_337, %add3A_384 : i32
        %get3A_386 = arith.index_cast %add3A_385 : i32 to index
        %get3A_387 = tpu.vector_load %arg7[%get3A_386] {strides = array<i32>} : memref<16384xf32, #tpu.memory_space<vmem>>, vector<16xf32>,
        %add3A_388 = arith.constant 16 : i32
        %add3A_389 = arith.addi %mul3A_337, %add3A_388 : i32
        %get3A_390 = arith.index_cast %add3A_389 : i32 to index
        %get3A_391 = tpu.vector_load %arg7[%get3A_390] {strides = array<i32>} : memref<16384xf32, #tpu.memory_space<vmem>>, vector<16xf32>,
        %add3A_392 = arith.constant 32 : i32
        %add3A_393 = arith.addi %mul3A_337, %add3A_392 : i32
        %get3A_394 = arith.index_cast %add3A_393 : i32 to index
        %get3A_395 = tpu.vector_load %arg7[%get3A_394] {strides = array<i32>} : memref<16384xf32, #tpu.memory_space<vmem>>, vector<16xf32>,
        %add3A_396 = arith.constant 48 : i32
        %add3A_397 = arith.addi %mul3A_337, %add3A_396 : i32
        %get3A_398 = arith.index_cast %add3A_397 : i32 to index
        %get3A_399 = tpu.vector_load %arg7[%get3A_398] {strides = array<i32>} : memref<16384xf32, #tpu.memory_space<vmem>>, vector<16xf32>,
        %add3A_400 = arith.constant 64 : i32
        %add3A_401 = arith.addi %mul3A_337, %add3A_400 : i32
        %get3A_402 = arith.index_cast %add3A_401 : i32 to index
        %get3A_403 = tpu.vector_load %arg7[%get3A_402] {strides = array<i32>} : memref<16384xf32, #tpu.memory_space<vmem>>, vector<16xf32>,
        %add3A_404 = arith.constant 80 : i32
        %add3A_405 = arith.addi %mul3A_337, %add3A_404 : i32
        %get3A_406 = arith.index_cast %add3A_405 : i32 to index
        %get3A_407 = tpu.vector_load %arg7[%get3A_406] {strides = array<i32>} : memref<16384xf32, #tpu.memory_space<vmem>>, vector<16xf32>,
        %add3A_408 = arith.constant 96 : i32
        %add3A_409 = arith.addi %mul3A_337, %add3A_408 : i32
        %get3A_410 = arith.index_cast %add3A_409 : i32 to index
        %get3A_411 = tpu.vector_load %arg7[%get3A_410] {strides = array<i32>} : memref<16384xf32, #tpu.memory_space<vmem>>, vector<16xf32>,
        %add3A_412 = arith.constant 112 : i32
        %add3A_413 = arith.addi %mul3A_337, %add3A_412 : i32
        %get3A_414 = arith.index_cast %add3A_413 : i32 to index
        %get3A_415 = tpu.vector_load %arg7[%get3A_414] {strides = array<i32>} : memref<16384xf32, #tpu.memory_space<vmem>>, vector<16xf32>,
        %add3A_416 = arith.addf %get3A_387, %gather3A : vector<16xf32>
        %add3A_417 = arith.constant 0 : i32
        %add3A_418 = arith.addi %mul3A_337, %add3A_417 : i32
        %swap3A = arith.index_cast %add3A_418 : i32 to index
        %swap3A_419 = tpu.vector_load %arg7[%swap3A] {strides = array<i32>} : memref<16384xf32, #tpu.memory_space<vmem>>, vector<16xf32>,
        tpu.vector_store %arg7[%swap3A], %add3A_416 {strides = array<i32>} : memref<16384xf32, #tpu.memory_space<vmem>>, vector<16xf32>,
        %add3A_420 = arith.addf %get3A_391, %gather3A_347 : vector<16xf32>
        %add3A_421 = arith.constant 16 : i32
        %add3A_422 = arith.addi %mul3A_337, %add3A_421 : i32
        %swap3A_423 = arith.index_cast %add3A_422 : i32 to index
        %swap3A_424 = tpu.vector_load %arg7[%swap3A_423] {strides = array<i32>} : memref<16384xf32, #tpu.memory_space<vmem>>, vector<16xf32>,
        tpu.vector_store %arg7[%swap3A_423], %add3A_420 {strides = array<i32>} : memref<16384xf32, #tpu.memory_space<vmem>>, vector<16xf32>,
        %add3A_425 = arith.addf %get3A_395, %gather3A_353 : vector<16xf32>
        %add3A_426 = arith.constant 32 : i32
        %add3A_427 = arith.addi %mul3A_337, %add3A_426 : i32
        %swap3A_428 = arith.index_cast %add3A_427 : i32 to index
        %swap3A_429 = tpu.vector_load %arg7[%swap3A_428] {strides = array<i32>} : memref<16384xf32, #tpu.memory_space<vmem>>, vector<16xf32>,
        tpu.vector_store %arg7[%swap3A_428], %add3A_425 {strides = array<i32>} : memref<16384xf32, #tpu.memory_space<vmem>>, vector<16xf32>,
        %add3A_430 = arith.addf %get3A_399, %gather3A_359 : vector<16xf32>
        %add3A_431 = arith.constant 48 : i32
        %add3A_432 = arith.addi %mul3A_337, %add3A_431 : i32
        %swap3A_433 = arith.index_cast %add3A_432 : i32 to index
        %swap3A_434 = tpu.vector_load %arg7[%swap3A_433] {strides = array<i32>} : memref<16384xf32, #tpu.memory_space<vmem>>, vector<16xf32>,
        tpu.vector_store %arg7[%swap3A_433], %add3A_430 {strides = array<i32>} : memref<16384xf32, #tpu.memory_space<vmem>>, vector<16xf32>,
        %add3A_435 = arith.addf %get3A_403, %gather3A_365 : vector<16xf32>
        %add3A_436 = arith.constant 64 : i32
        %add3A_437 = arith.addi %mul3A_337, %add3A_436 : i32
        %swap3A_438 = arith.index_cast %add3A_437 : i32 to index
        %swap3A_439 = tpu.vector_load %arg7[%swap3A_438] {strides = array<i32>} : memref<16384xf32, #tpu.memory_space<vmem>>, vector<16xf32>,
        tpu.vector_store %arg7[%swap3A_438], %add3A_435 {strides = array<i32>} : memref<16384xf32, #tpu.memory_space<vmem>>, vector<16xf32>,
        %add3A_440 = arith.addf %get3A_407, %gather3A_371 : vector<16xf32>
        %add3A_441 = arith.constant 80 : i32
        %add3A_442 = arith.addi %mul3A_337, %add3A_441 : i32
        %swap3A_443 = arith.index_cast %add3A_442 : i32 to index
        %swap3A_444 = tpu.vector_load %arg7[%swap3A_443] {strides = array<i32>} : memref<16384xf32, #tpu.memory_space<vmem>>, vector<16xf32>,
        tpu.vector_store %arg7[%swap3A_443], %add3A_440 {strides = array<i32>} : memref<16384xf32, #tpu.memory_space<vmem>>, vector<16xf32>,
        %add3A_445 = arith.addf %get3A_411, %gather3A_377 : vector<16xf32>
        %add3A_446 = arith.constant 96 : i32
        %add3A_447 = arith.addi %mul3A_337, %add3A_446 : i32
        %swap3A_448 = arith.index_cast %add3A_447 : i32 to index
        %swap3A_449 = tpu.vector_load %arg7[%swap3A_448] {strides = array<i32>} : memref<16384xf32, #tpu.memory_space<vmem>>, vector<16xf32>,
        tpu.vector_store %arg7[%swap3A_448], %add3A_445 {strides = array<i32>} : memref<16384xf32, #tpu.memory_space<vmem>>, vector<16xf32>,
        %add3A_450 = arith.addf %get3A_415, %gather3A_383 : vector<16xf32>
        %add3A_451 = arith.constant 112 : i32
        %add3A_452 = arith.addi %mul3A_337, %add3A_451 : i32
        %swap3A_453 = arith.index_cast %add3A_452 : i32 to index
        %swap3A_454 = tpu.vector_load %arg7[%swap3A_453] {strides = array<i32>} : memref<16384xf32, #tpu.memory_space<vmem>>, vector<16xf32>,
        tpu.vector_store %arg7[%swap3A_453], %add3A_450 {strides = array<i32>} : memref<16384xf32, #tpu.memory_space<vmem>>, vector<16xf32>,
      }
      %scan3A_332 = arith.constant 32 : i32
    }
    %scan3A_171 = arith.constant 25 : i32
    "tpu.region"() ({
      %run_scoped3A_172 = tpu.sem_alloc : memref<!tpu.dma_semaphore, #tpu.memory_space<semaphore_mem>>
      %dma_start3A_173 = arith.constant 0 : i32
      %dma_start3A_174 = tpu.memref_slice %arg4[%add3A, %dma_start3A_173] : memref<32x16384xf32, #tpu.memory_space<hbm>> -> memref<1x16384xf32, #tpu.memory_space<hbm>>
      %dma_start3A_175 = tpu.memref_squeeze %dma_start3A_174 : memref<1x16384xf32, #tpu.memory_space<hbm>> -> memref<16384xf32, #tpu.memory_space<hbm>>
      %dma_start3A_176 = arith.constant 0 : i32
      %dma_start3A_177 = tpu.memref_slice %arg4[%add3A, %dma_start3A_176] : memref<32x16384xf32, #tpu.memory_space<hbm>> -> memref<1x16384xf32, #tpu.memory_space<hbm>>
      %dma_start3A_178 = tpu.memref_squeeze %dma_start3A_177 : memref<1x16384xf32, #tpu.memory_space<hbm>> -> memref<16384xf32, #tpu.memory_space<hbm>>
      tpu.enqueue_dma source(%arg7 : memref<16384xf32, #tpu.memory_space<vmem>>) target(%dma_start3A_178 : memref<16384xf32, #tpu.memory_space<hbm>>) target_semaphore(%run_scoped3A_172 : memref<!tpu.dma_semaphore, #tpu.memory_space<semaphore_mem>>)
      %dma_wait3A_179 = arith.constant 0 : i32
      %dma_wait3A_180 = tpu.memref_slice %arg4[%add3A, %dma_wait3A_179] : memref<32x16384xf32, #tpu.memory_space<hbm>> -> memref<1x16384xf32, #tpu.memory_space<hbm>>
      %dma_wait3A_181 = tpu.memref_squeeze %dma_wait3A_180 : memref<1x16384xf32, #tpu.memory_space<hbm>> -> memref<16384xf32, #tpu.memory_space<hbm>>
      %dma_wait3A_182 = arith.constant 0 : i32
      %dma_wait3A_183 = tpu.memref_slice %arg4[%add3A, %dma_wait3A_182] : memref<32x16384xf32, #tpu.memory_space<hbm>> -> memref<1x16384xf32, #tpu.memory_space<hbm>>
      %dma_wait3A_184 = tpu.memref_squeeze %dma_wait3A_183 : memref<1x16384xf32, #tpu.memory_space<hbm>> -> memref<16384xf32, #tpu.memory_space<hbm>>
      tpu.wait_dma2 semaphore(%run_scoped3A_172 : memref<!tpu.dma_semaphore, #tpu.memory_space<semaphore_mem>>) src(%arg7 : memref<16384xf32, #tpu.memory_space<vmem>>) dst(%dma_wait3A_184 : memref<16384xf32, #tpu.memory_space<hbm>>)
      tpu.yield
    }) : () -> ()
    return
  }
}

module attributes {stable_mosaic.version = 14 : i64} {
  func.func @body(%arg0: i32, %arg1: memref<128x39xf32, #tpu.memory_space<vmem>>, %arg2: memref<1x13x32xf32, #tpu.memory_space<vmem>>, %arg3: memref<32x128xf32, #tpu.memory_space<vmem>>, %arg4: memref<2x64x32xf32, #tpu.memory_space<vmem>>) attributes {dimension_semantics = [#tpu.dimension_semantics<arbitrary>], iteration_bounds = array<i64: 128>, scalar_prefetch = 0 : i64, scratch_operands = 0 : i64, tpu.core_type = #tpu.core_type<tc>, window_params = [{transform_indices = @transform_0, window_bounds = array<i64: 128, 39>}, {pipeline_mode = #tpu.pipeline_mode<synchronous>, transform_indices = @transform_1, window_bounds = array<i64: 1, 13, 32>}, {transform_indices = @transform_2, window_bounds = array<i64: 32, 128>}, {transform_indices = @transform_3, window_bounds = array<i64: 2, 64, 32>}]} {
    %get3A = arith.constant 0 : index
    %get3A_0 = arith.constant 0 : index
    %get3A_1 = vector.load %arg1[%get3A, %get3A_0] : memref<128x39xf32, #tpu.memory_space<vmem>>, vector<128x39xf32>
    %get3A_2 = arith.constant 0 : index
    %get3A_3 = arith.constant 0 : index
    %get3A_4 = arith.constant 0 : index
    %get3A_5 = vector.load %arg2[%get3A_2, %get3A_3, %get3A_4] : memref<1x13x32xf32, #tpu.memory_space<vmem>>, vector<1x13x32xf32>
    %get3A_6 = vector.shape_cast %get3A_5 : vector<1x13x32xf32> to vector<13x32xf32>
    %broadcast_in_dim3A = arith.constant 0.000000e+00 : f32
    %broadcast_in_dim3A_7 = vector.broadcast %broadcast_in_dim3A : f32 to vector<26x32xf32>
    %concatenate3A = tpu.concatenate %get3A_6, %broadcast_in_dim3A_7 in 0 : vector<13x32xf32>, vector<26x32xf32> -> vector<39x32xf32>
    %dot_general3A = arith.constant dense<0.000000e+00> : vector<128x32xf32>
    %dot_general3A_8 = tpu.matmul %get3A_1, %concatenate3A, %dot_general3A {dimension_numbers = #tpu.dot_dimension_numbers<[1], [0], [0], [1], [0, 0, 1, 1], [], []>, transpose_lhs_hint = false} : vector<128x39xf32>, vector<39x32xf32>, vector<128x32xf32> -> vector<128x32xf32>
    %get3A_9 = arith.constant 0 : index
    %get3A_10 = arith.constant 0 : index
    %get3A_11 = vector.load %arg3[%get3A_9, %get3A_10] : memref<32x128xf32, #tpu.memory_space<vmem>>, vector<32x128xf32>
    %iota3A = tpu.iota {dimensions = array<i32: 0>} : vector<32x32xi32>
    %iota3A_12 = tpu.iota {dimensions = array<i32: 1>} : vector<32x32xi32>
    %eq3A = arith.cmpi eq, %iota3A, %iota3A_12 : vector<32x32xi32>
    %convert_element_type3A = arith.extui %eq3A : vector<32x32xi1> to vector<32x32xi32>
    %convert_element_type3A_13 = arith.sitofp %convert_element_type3A : vector<32x32xi32> to vector<32x32xf32>
    %dot_general3A_14 = arith.constant dense<0.000000e+00> : vector<128x32xf32>
    %dot_general3A_15 = tpu.matmul %get3A_11, %convert_element_type3A_13, %dot_general3A_14 {dimension_numbers = #tpu.dot_dimension_numbers<[0], [0], [1], [1], [0, 1, 1, 1], [], []>, transpose_lhs_hint = false} : vector<32x128xf32>, vector<32x32xf32>, vector<128x32xf32> -> vector<128x32xf32>
    %add3A = arith.addf %dot_general3A_8, %dot_general3A_15 : vector<128x32xf32>
    %reshape3A = vector.shape_cast %add3A : vector<128x32xf32> to vector<2x64x32xf32>
    %swap3A = arith.constant 0 : index
    %swap3A_16 = arith.constant 0 : index
    %swap3A_17 = arith.constant 0 : index
    %swap3A_18 = vector.load %arg4[%swap3A, %swap3A_16, %swap3A_17] : memref<2x64x32xf32, #tpu.memory_space<vmem>>, vector<2x64x32xf32>
    tpu.vector_store %arg4[%swap3A, %swap3A_16, %swap3A_17], %reshape3A {strides = array<i32>} : memref<2x64x32xf32, #tpu.memory_space<vmem>>, vector<2x64x32xf32>,
    return
  }
  func.func @transform_0(%arg0: i32) -> (i32, i32) {
    %c0_i32 = arith.constant 0 : i32
    %c0_i32_0 = arith.constant 0 : i32
    return %arg0, %c0_i32 : i32, i32
  }
  func.func @transform_1(%arg0: i32) -> (i32, i32, i32) {
    %c0_i32 = arith.constant 0 : i32
    %c0_i32_0 = arith.constant 0 : i32
    %c0_i32_1 = arith.constant 0 : i32
    %c0_i32_2 = arith.constant 0 : i32
    return %c0_i32, %c0_i32_0, %c0_i32_1 : i32, i32, i32
  }
  func.func @transform_2(%arg0: i32) -> (i32, i32) {
    %c0_i32 = arith.constant 0 : i32
    %c0_i32_0 = arith.constant 0 : i32
    return %c0_i32, %arg0 : i32, i32
  }
  func.func @transform_3(%arg0: i32) -> (i32, i32, i32) {
    %c0_i32 = arith.constant 0 : i32
    %c0_i32_0 = arith.constant 0 : i32
    %c0_i32_1 = arith.constant 0 : i32
    return %arg0, %c0_i32, %c0_i32_0 : i32, i32, i32
  }
}

module attributes {stable_mosaic.version = 14 : i64} {
  func.func @body(%arg0: i32, %arg1: memref<1024x39xf32, #tpu.memory_space<vmem>>, %arg2: memref<26x8x128xi32, #tpu.memory_space<vmem>>) attributes {dimension_semantics = [#tpu.dimension_semantics<arbitrary>], iteration_bounds = array<i64: 16>, scalar_prefetch = 0 : i64, scratch_operands = 0 : i64, tpu.core_type = #tpu.core_type<tc>, window_params = [{transform_indices = @transform_0, window_bounds = array<i64: 1024, 39>}, {transform_indices = @transform_1, window_bounds = array<i64: 26, 8, 128>}]} {
    %get3A = arith.constant 0 : index
    %get3A_0 = arith.constant 0 : index
    %get3A_1 = vector.load %arg1[%get3A, %get3A_0] : memref<1024x39xf32, #tpu.memory_space<vmem>>, vector<1024x39xf32>
    %iota3A = tpu.iota {dimensions = array<i32: 0>} : vector<26x39xi32>
    %iota3A_2 = tpu.iota {dimensions = array<i32: 1>} : vector<26x39xi32>
    %add3A = arith.constant 13 : i32
    %add3A_3 = vector.broadcast %add3A : i32 to vector<26x39xi32>
    %add3A_4 = arith.addi %iota3A, %add3A_3 : vector<26x39xi32>
    %eq3A = arith.cmpi eq, %iota3A_2, %add3A_4 : vector<26x39xi32>
    %convert_element_type3A = arith.extui %eq3A : vector<26x39xi1> to vector<26x39xi32>
    %convert_element_type3A_5 = arith.sitofp %convert_element_type3A : vector<26x39xi32> to vector<26x39xf32>
    %slice3A = vector.extract_strided_slice %get3A_1 {offsets = [0, 0], sizes = [128, 39], strides = [1, 1]} : vector<1024x39xf32> to vector<128x39xf32>
    %dot_general3A = arith.constant dense<0.000000e+00> : vector<26x128xf32>
    %dot_general3A_6 = tpu.matmul %convert_element_type3A_5, %slice3A, %dot_general3A {dimension_numbers = #tpu.dot_dimension_numbers<[1], [1], [0], [0], [0, 0, 1, 0], [], []>, transpose_lhs_hint = false} : vector<26x39xf32>, vector<128x39xf32>, vector<26x128xf32> -> vector<26x128xf32>
    %broadcast_in_dim3A = vector.shape_cast %dot_general3A_6 : vector<26x128xf32> to vector<26x1x128xf32>
    %slice3A_7 = vector.extract_strided_slice %get3A_1 {offsets = [128, 0], sizes = [128, 39], strides = [1, 1]} : vector<1024x39xf32> to vector<128x39xf32>
    %dot_general3A_8 = arith.constant dense<0.000000e+00> : vector<26x128xf32>
    %dot_general3A_9 = tpu.matmul %convert_element_type3A_5, %slice3A_7, %dot_general3A_8 {dimension_numbers = #tpu.dot_dimension_numbers<[1], [1], [0], [0], [0, 0, 1, 0], [], []>, transpose_lhs_hint = false} : vector<26x39xf32>, vector<128x39xf32>, vector<26x128xf32> -> vector<26x128xf32>
    %broadcast_in_dim3A_10 = vector.shape_cast %dot_general3A_9 : vector<26x128xf32> to vector<26x1x128xf32>
    %slice3A_11 = vector.extract_strided_slice %get3A_1 {offsets = [256, 0], sizes = [128, 39], strides = [1, 1]} : vector<1024x39xf32> to vector<128x39xf32>
    %dot_general3A_12 = arith.constant dense<0.000000e+00> : vector<26x128xf32>
    %dot_general3A_13 = tpu.matmul %convert_element_type3A_5, %slice3A_11, %dot_general3A_12 {dimension_numbers = #tpu.dot_dimension_numbers<[1], [1], [0], [0], [0, 0, 1, 0], [], []>, transpose_lhs_hint = false} : vector<26x39xf32>, vector<128x39xf32>, vector<26x128xf32> -> vector<26x128xf32>
    %broadcast_in_dim3A_14 = vector.shape_cast %dot_general3A_13 : vector<26x128xf32> to vector<26x1x128xf32>
    %slice3A_15 = vector.extract_strided_slice %get3A_1 {offsets = [384, 0], sizes = [128, 39], strides = [1, 1]} : vector<1024x39xf32> to vector<128x39xf32>
    %dot_general3A_16 = arith.constant dense<0.000000e+00> : vector<26x128xf32>
    %dot_general3A_17 = tpu.matmul %convert_element_type3A_5, %slice3A_15, %dot_general3A_16 {dimension_numbers = #tpu.dot_dimension_numbers<[1], [1], [0], [0], [0, 0, 1, 0], [], []>, transpose_lhs_hint = false} : vector<26x39xf32>, vector<128x39xf32>, vector<26x128xf32> -> vector<26x128xf32>
    %broadcast_in_dim3A_18 = vector.shape_cast %dot_general3A_17 : vector<26x128xf32> to vector<26x1x128xf32>
    %slice3A_19 = vector.extract_strided_slice %get3A_1 {offsets = [512, 0], sizes = [128, 39], strides = [1, 1]} : vector<1024x39xf32> to vector<128x39xf32>
    %dot_general3A_20 = arith.constant dense<0.000000e+00> : vector<26x128xf32>
    %dot_general3A_21 = tpu.matmul %convert_element_type3A_5, %slice3A_19, %dot_general3A_20 {dimension_numbers = #tpu.dot_dimension_numbers<[1], [1], [0], [0], [0, 0, 1, 0], [], []>, transpose_lhs_hint = false} : vector<26x39xf32>, vector<128x39xf32>, vector<26x128xf32> -> vector<26x128xf32>
    %broadcast_in_dim3A_22 = vector.shape_cast %dot_general3A_21 : vector<26x128xf32> to vector<26x1x128xf32>
    %slice3A_23 = vector.extract_strided_slice %get3A_1 {offsets = [640, 0], sizes = [128, 39], strides = [1, 1]} : vector<1024x39xf32> to vector<128x39xf32>
    %dot_general3A_24 = arith.constant dense<0.000000e+00> : vector<26x128xf32>
    %dot_general3A_25 = tpu.matmul %convert_element_type3A_5, %slice3A_23, %dot_general3A_24 {dimension_numbers = #tpu.dot_dimension_numbers<[1], [1], [0], [0], [0, 0, 1, 0], [], []>, transpose_lhs_hint = false} : vector<26x39xf32>, vector<128x39xf32>, vector<26x128xf32> -> vector<26x128xf32>
    %broadcast_in_dim3A_26 = vector.shape_cast %dot_general3A_25 : vector<26x128xf32> to vector<26x1x128xf32>
    %slice3A_27 = vector.extract_strided_slice %get3A_1 {offsets = [768, 0], sizes = [128, 39], strides = [1, 1]} : vector<1024x39xf32> to vector<128x39xf32>
    %dot_general3A_28 = arith.constant dense<0.000000e+00> : vector<26x128xf32>
    %dot_general3A_29 = tpu.matmul %convert_element_type3A_5, %slice3A_27, %dot_general3A_28 {dimension_numbers = #tpu.dot_dimension_numbers<[1], [1], [0], [0], [0, 0, 1, 0], [], []>, transpose_lhs_hint = false} : vector<26x39xf32>, vector<128x39xf32>, vector<26x128xf32> -> vector<26x128xf32>
    %broadcast_in_dim3A_30 = vector.shape_cast %dot_general3A_29 : vector<26x128xf32> to vector<26x1x128xf32>
    %slice3A_31 = vector.extract_strided_slice %get3A_1 {offsets = [896, 0], sizes = [128, 39], strides = [1, 1]} : vector<1024x39xf32> to vector<128x39xf32>
    %dot_general3A_32 = arith.constant dense<0.000000e+00> : vector<26x128xf32>
    %dot_general3A_33 = tpu.matmul %convert_element_type3A_5, %slice3A_31, %dot_general3A_32 {dimension_numbers = #tpu.dot_dimension_numbers<[1], [1], [0], [0], [0, 0, 1, 0], [], []>, transpose_lhs_hint = false} : vector<26x39xf32>, vector<128x39xf32>, vector<26x128xf32> -> vector<26x128xf32>
    %broadcast_in_dim3A_34 = vector.shape_cast %dot_general3A_33 : vector<26x128xf32> to vector<26x1x128xf32>
    %concatenate3A = tpu.concatenate %broadcast_in_dim3A, %broadcast_in_dim3A_10, %broadcast_in_dim3A_14, %broadcast_in_dim3A_18, %broadcast_in_dim3A_22, %broadcast_in_dim3A_26, %broadcast_in_dim3A_30, %broadcast_in_dim3A_34 in 1 : vector<26x1x128xf32>, vector<26x1x128xf32>, vector<26x1x128xf32>, vector<26x1x128xf32>, vector<26x1x128xf32>, vector<26x1x128xf32>, vector<26x1x128xf32>, vector<26x1x128xf32> -> vector<26x8x128xf32>
    %convert_element_type3A_35 = arith.fptosi %concatenate3A : vector<26x8x128xf32> to vector<26x8x128xi32>
    %swap3A = arith.constant 0 : index
    %swap3A_36 = arith.constant 0 : index
    %swap3A_37 = arith.constant 0 : index
    %swap3A_38 = vector.load %arg2[%swap3A, %swap3A_36, %swap3A_37] : memref<26x8x128xi32, #tpu.memory_space<vmem>>, vector<26x8x128xi32>
    tpu.vector_store %arg2[%swap3A, %swap3A_36, %swap3A_37], %convert_element_type3A_35 {strides = array<i32>} : memref<26x8x128xi32, #tpu.memory_space<vmem>>, vector<26x8x128xi32>,
    return
  }
  func.func @transform_0(%arg0: i32) -> (i32, i32) {
    %c0_i32 = arith.constant 0 : i32
    %c0_i32_0 = arith.constant 0 : i32
    return %arg0, %c0_i32 : i32, i32
  }
  func.func @transform_1(%arg0: i32) -> (i32, i32, i32) {
    %c0_i32 = arith.constant 0 : i32
    %c0_i32_0 = arith.constant 0 : i32
    %c0_i32_1 = arith.constant 0 : i32
    return %c0_i32, %arg0, %c0_i32_0 : i32, i32, i32
  }
}

</mosaic_0001>

<sc_bundles>
// kernel: kernel.5.cloned.1.call-start
scs
__scs_entry_jumppad:
0x0: {  	(pc) =	sbr.rel $0x88, $3  }
0x1: {  	(tag) =	ssettag $0x0;
	lr =	simm.s32 $0x1  }
0x2: {  	[smem:$0x3F9E] =	sst lr;
	_ =	strace $0xD0000000  }
0x3: {  	_ = 	snop  }
0x4: {  	_ = 	snop  }
0x5: {  	_ = 	snop  }
0x6: {  	_ = 	snop  }
0x7: {  	_ = 	snop  }
__scs_overlays_trampoline_lowered:
0x8: {  	[smem:$0x3FAD] =	sst s0  }
0x9: {  	[smem:$0x3FAE] =	sst s1  }
0xa: {  	[smem:$0x3FAF] =	sst s2  }
0xb: {  	[smem:$0x3FB0] =	sst s3  }
0xc: {  	[smem:$0x3FB1] =	sst s4  }
0xd: {  	[smem:$0x3FB2] =	sst s5  }
0xe: {  	[smem:$0x3FB3] =	sst s6  }
0xf: {  	[smem:$0x3FB4] =	sst s7  }
0x10: {  	[smem:$0x3FB5] =	sst s8  }
0x11: {  	[smem:$0x3FB6] =	sst s9;
	s0 =	simm.s32 @!p0 $0x0  }
0x12: {  	s1 =	sld [smem:$0x3F9C];
	s0 =	simm.s32 @p0 $0x1  }
0x13: {  	[smem:$0x3FB7] =	sst s0;
	s0 =	simm.s32 @!p1 $0x0  }
0x14: {  	s2 =	sld [smem:$0x3F9B];
	s0 =	simm.s32 @p1 $0x1  }
0x15: {  	[smem:$0x3FB8] =	sst s0;
	s0 =	simm.s32 @!p2 $0x0  }
0x16: {  	s3 =	sld [smem:$0x3FDB];
	s0 =	simm.s32 @p2 $0x1  }
0x17: {  	s4 =	simm.s32 $0x1BF5;
	[smem:$0x3FBA] =	sst s0  }
0x18: {  	s0 =	sld [smem:$0x3F9D];
	_ =	swait.ge [sflag:s4], $0x0  }
0x19: {  	s7 =	sld [smem:$0x3F9E]  }
0x1a: {  	s8 =	sadd.s32 $0xFFFFE003, lr  }
0x1b: {  	s9 =	sadd.s32 $0xFFFFFEF7, lr;
	s5 =	simm.s32 $0xFFFFFFFF;
	p2 =	slt.u32 s8, $0xFFFFF086  }
0x1c: {  	p1 =	slt.u32 s9, $0xF7A;
	s5 =	simm.s32 @!p2 $0x0  }
0x1d: {  	s5 =	simm.s32 @p1 $0x1;
	p0 =	seq.s32 s7, s2  }
0x1e: {  	s7 =	smul.u32 @!p0 $0xF7A, s2;
	p2 =	seq.s32 @!p0 s5, $0x0  }
0x1f: {  	s9 =	smul.u32 $0xF7A, s1;
	s8 =	simm.s32 @!p0 $0x1BF5;
	p2 =	por !p2, p0  }
0x20: {  	[sflag:s8] =	ssyncset.s32 @!p0 $0xFFFFF086;
	s6 =	sadd.s32 @!p0 s3, s7;
	s7 =	simm.s32 @!p0 $0x108  }
0x21: {  	s3 =	sadd.s32 s3, s9;
	s6 =	sadd.s32 @!p0 $0x88, s6;
	s7 =	simm.s32 @p2 $0x1082  }
0x22: {  	[simem:s7], [sflag:s8] =	dma.local @!p0 [hbm:s6], $0xF7A  }
0x23: {  	s9 =	sor.u32 $0xD0000000, s2;
	s6 =	simm.s32 $0x108;
	_ =	swait.ge @!p0 [sflag:s8], $0x0  }
0x24: {  	s3 =	sadd.s32 $0x88, s3;
	s6 =	simm.s32 @!p1 $0x1082;
	[sflag:s4] =	ssyncset.s32 $0xFFFFF086  }
0x25: {  	[simem:s6], [sflag:s4] =	dma.local [hbm:s3], $0xF7A  }
0x26: {  	[smem:$0x3F9E] =	sst s1;
	(tag) =	ssettag s2;
	_ =	strace s9  }
0x27: {  	s1 =	sld [smem:$0x3FAE]  }
0x28: {  	s2 =	sld [smem:$0x3FAF]  }
0x29: {  	s4 =	sld [smem:$0x3FB1]  }
0x2a: {  	p0 =	seq.s32 s5, $0x0;
	s5 =	sld [smem:$0x3FB2]  }
0x2b: {  	s6 =	sld [smem:$0x3FB3]  }
0x2c: {  	s7 =	sld [smem:$0x3FB4]  }
0x2d: {  	s3 =	simm.s32 $0x108;
	s8 =	sld [smem:$0x3FB5]  }
0x2e: {  	s3 =	simm.s32 @!p0 $0x1082;
	s9 =	sld [smem:$0x3FB6]  }
0x2f: {  	lr =	sadd.s32 s0, s3;
	s0 =	sld [smem:$0x3FAD]  }
0x30: {  	s3 =	sld [smem:$0x3FB0]  }
0x31: {  	[smem:$0x3FB9] =	sst s10  }
0x32: {  	s10 =	sld [smem:$0x3FB7];
	_ =	sdelay $0x3  }
0x33: {  	p0 =	seq.s32 s10, $0x1;
	s10 =	sld [smem:$0x3FB9];
	_ =	sdelay $0x3  }
0x34: {  	[smem:$0x3FB9] =	sst s10  }
0x35: {  	s10 =	sld [smem:$0x3FB8];
	_ =	sdelay $0x3  }
0x36: {  	p1 =	seq.s32 s10, $0x1;
	s10 =	sld [smem:$0x3FB9];
	_ =	sdelay $0x3  }
0x37: {  	[smem:$0x3FB9] =	sst s10  }
0x38: {  	s10 =	sld [smem:$0x3FBA]  }
0x39: {  	_ = 	snop;
	(pc) =	sbr.ind lr, $3  }
0x3a: {  	_ = 	snop  }
0x3b: {  	_ = 	snop  }
0x3c: {  	p2 =	seq.s32 s10, $0x1;
	s10 =	sld [smem:$0x3FB9]  }
0x3d: {  	_ =	shalt  }
0x3e: {  	_ =	shalt  }
0x3f: {  	_ =	shalt  }
0x40: {  	_ =	shalt  }
0x41: {  	_ =	shalt  }
0x42: {  	_ =	shalt  }
0x43: {  	_ =	shalt  }
0x44: {  	_ =	shalt  }
0x45: {  	_ =	shalt  }
0x46: {  	_ =	shalt  }
0x47: {  	_ =	shalt  }
0x48: {  	_ =	shalt  }
0x49: {  	_ =	shalt  }
0x4a: {  	_ =	shalt  }
0x4b: {  	_ =	shalt  }
0x4c: {  	_ =	shalt  }
0x4d: {  	_ =	shalt  }
0x4e: {  	_ =	shalt  }
0x4f: {  	_ =	shalt  }
0x50: {  	_ =	shalt  }
0x51: {  	_ =	shalt  }
0x52: {  	_ =	shalt  }
0x53: {  	_ =	shalt  }
0x54: {  	_ =	shalt  }
0x55: {  	_ =	shalt  }
0x56: {  	_ =	shalt  }
0x57: {  	_ =	shalt  }
0x58: {  	_ =	shalt  }
0x59: {  	_ =	shalt  }
0x5a: {  	_ =	shalt  }
0x5b: {  	_ =	shalt  }
0x5c: {  	_ =	shalt  }
0x5d: {  	_ =	shalt  }
0x5e: {  	_ =	shalt  }
0x5f: {  	_ =	shalt  }
0x60: {  	_ =	shalt  }
0x61: {  	_ =	shalt  }
0x62: {  	_ =	shalt  }
0x63: {  	_ =	shalt  }
0x64: {  	_ =	shalt  }
0x65: {  	_ =	shalt  }
0x66: {  	_ =	shalt  }
0x67: {  	_ =	shalt  }
0x68: {  	_ =	shalt  }
0x69: {  	_ =	shalt  }
0x6a: {  	_ =	shalt  }
0x6b: {  	_ =	shalt  }
0x6c: {  	_ =	shalt  }
0x6d: {  	_ =	shalt  }
0x6e: {  	_ =	shalt  }
0x6f: {  	_ =	shalt  }
0x70: {  	_ =	shalt  }
0x71: {  	_ =	shalt  }
0x72: {  	_ =	shalt  }
0x73: {  	_ =	shalt  }
0x74: {  	_ =	shalt  }
0x75: {  	_ =	shalt  }
0x76: {  	_ =	shalt  }
0x77: {  	_ =	shalt  }
0x78: {  	_ =	shalt  }
0x79: {  	_ =	shalt  }
0x7a: {  	_ =	shalt  }
0x7b: {  	_ =	shalt  }
0x7c: {  	_ =	shalt  }
0x7d: {  	_ =	shalt  }
0x7e: {  	_ =	shalt  }
0x7f: {  	_ =	shalt  }
0x80: {  	_ =	shalt  }
0x81: {  	_ =	shalt  }
0x82: {  	_ =	shalt  }
0x83: {  	_ =	shalt  }
0x84: {  	_ =	shalt  }
0x85: {  	_ =	shalt  }
0x86: {  	_ =	shalt  }
0x87: {  	_ =	shalt  }
.Lfunc_end0:
.L_simem_size_0:
called_computation_lowered:
.L_overlay_start_0:
0x88: {  	s2 =	sld [smem:$0x3FD9]  }
0x89: {  	s3 =	sld [smem:$0x3FFE];
	_ =	sdelay $0x1  }
0x8a: {  	s1 =	srdreg.scid  }
0x8b: {  	s0 =	sand.u32 $0x1, s1  }
0x8c: {  	s17 =	sshll.u32 s0, $0xA;
	s2 =	sadd.s32 s3, s2  }
0x8d: {  	s2 =	sadd.s32 s2, s17  }
0x8e: {  	[smem:$0x3FC5] =	sst s2  }
0x8f: {  	_ = 	snop  }
0x90: {  	s2 =	sld [smem:$0x3FC8]  }
0x91: {  	s18 =	sld [smem:$0x3FD0];
	(tm) =	ssettm $0x1  }
0x92: {  	s4 =	sld [smem:$0x3FFB];
	_ =	sdelay $0x3  }
0x93: {  	_ =	strace s4  }
0x94: {  	s4 =	sld [smem:$0x3FFC];
	_ =	sdelay $0x3  }
0x95: {  	_ =	strace s4  }
0x96: {  	s4 =	sld [smem:$0x3FFD];
	_ =	sdelay $0x3  }
0x97: {  	_ =	strace s4  }
0x98: {  	_ =	strace $0x8FFFFFFF  }
0x99: {  	s19 =	sld [smem:$0x3FDB];
	_ =	sdelay $0x1  }
0x9a: {  	s5 =	simm.s32 $_scs_section_size  }
0x9b: {  	s6 =	simm.s32 $_size__tile_overlayer_lowered;
	s7 =	simm.s32 $_tile_overlayer_lowered  }
0x9c: {  	s22 =	simm.s32 $0x1BFF;
	s21 =	sshll.u32 s7, $0x1;
	s4 =	sadd.s32 s5, s19  }
0x9d: {  	s8 =	simm.s32 $0x0;
	s20 =	sshll.u32 s6, $0x1;
	s6 =	sadd.s32 s21, s4  }
0x9e: {  	[timem:s8], [sflag:s22] =	dma.local [hbm:s6], s20  }
0x9f: {  	_ =	swait.ge [sflag:s22], s20  }
0xa0: {  	s5 =	ssub.s32 $0x0, s20;
	[sflag:s22] =	ssyncset.done $0x0  }
0xa1: {  	[sflag:s22] =	ssyncadd.s32 s5;
	_ =	sdelay $0x1  }
0xa2: {  	s23 =	simm.s32 $0x1B8B  }
0xa3: {  	_ =	swait.ge [sflag:s23], $0x1  }
0xa4: {  	[sflag:s23] =	ssyncset.done $0x0  }
0xa5: {  	s25 =	simm.s32 $0x1B8E;
	s24 =	sld [smem:$0x3FFE];
	[sflag:s23] =	ssyncadd.s32 $0xFFFFFFFF  }
0xa6: {  	s26 =	simm.s32 $execute0_lowered;
	[smem:$0x3FD2] =	sst s25  }
0xa7: {  	s6 =	sshll.u32 s26, $0x1;
	_ =	strace $0x80000046;
	[dreg:$0x1] =	wrdreg $0xFFFFFFFF  }
0xa8: {  	s28 =	simm.s32 $_size_execute0_lowered;
	s4 =	sadd.s32 s4, s6;
	[dreg:$0x0] =	wrdreg $0x0  }
0xa9: {  	s6 =	sshll.u32 s28, $0x1;
	[dreg:$0x2] =	wrdreg s4  }
0xaa: {  	[dreg:$0x3] =	wrdreg s6  }
0xab: {  	[dreg:$0x4] =	wrdreg $0xC0  }
0xac: {  	_ =	task [dreg:s8], $0x5FFFF  }
0xad: {  	[dreg:$0x1] =	wrdreg $0xFFFFFFFF  }
0xae: {  	[dreg:$0x0] =	wrdreg $0x60  }
0xaf: {  	[dreg:$0x2] =	wrdreg s2  }
0xb0: {  	[dreg:$0x3] =	wrdreg s24  }
0xb1: {  	[dreg:$0x4] =	wrdreg s18  }
0xb2: {  	[dreg:$0x5] =	wrdreg $0x9  }
0xb3: {  	_ =	task.clear_ibuf [dreg:s8], $0x6FFFF;
	_ =	strace $0x90000046  }
0xb4: {  	s29 =	simm.s32 $0x9;
	_ =	strace $0x80000048  }
0xb5: {  	_ =	swait.ge [sflag:s29], $0x1  }
0xb6: {  	[sflag:s29] =	ssyncadd.s32 $0xFFFFFFFF  }
0xb7: {  	_ =	strace $0x90000048  }
0xb8: {  	_ =	sfence  }
0xb9: {  	s30 =	sld [smem:$0x0];
	_ =	sdelay $0x2  }
0xba: {  	s31 =	sshll.u32 s1, $0xD;
	s1 =	sshrl.u32 s1, $0x2  }
0xbb: {  	s3 =	sand.u32 $0x4000, s31;
	s1 =	sadd.s32 s1, s30  }
0xbc: {  	s0 =	sor.u32 s3, s0;
	s1 =	sshll.u32 s1, $0x11  }
0xbd: {  	s0 =	sor.u32 s1, s0  }
0xbe: {  	s0 =	sadd.s32 $0x8F2B, s0  }
0xbf: {  	[sflag:s0] =	ssyncadd.remote.s32 $0x1  }
0xc0: {  	_ =	sfence.sel $0xFFFF  }
0xc1: {  	[dreg:$0x0] =	wrdreg $0xFFFFFFFF;
	(pc) =	sbr.abs _section_cstart, $3  }
0xc2: {  	[dreg:$0x1] =	wrdreg $0xFFFFFFFF  }
0xc3: {  	_ =	task.clear_ibuf [dreg:s8], $0x2FFFF;
	_ =	strace $0x9FFFFFFF  }
0xc4: {  	(tm) =	ssettm $0x7FFFFFFF  }
0xc5: {  	_ =	shalt  }
tec
execute0_lowered:
.L_overlay_start_1:
0x0: {  	(tag) =	ssettag $0x1  }
0x1: {  	s1 =	rddreg [dreg:$0x0]  }
0x2: {  	s9 =	rddreg [dreg:$0x1]  }
0x3: {  	s10 =	rddreg [dreg:$0x2]  }
0x4: {  	s0 =	rddreg [dreg:$0x3]  }
0x5: {  	s3 =	simm.s32 $0x0;
	s4 =	srdreg.scid;
	s2 =	stileid.u32  }
0x6: {  	s14 =	simm.s32 $0x3;
	s15 =	simm.s32 $0x18700;
	s16 =	simm.s32 $0x1  }
0x7: {  	s17 =	simm.s32 $0x19700;
	s18 =	simm.s32 $0x2;
	s19 =	simm.s32 $0x1A700  }
0x8: {  	s20 =	simm.s32 $0x0;
	[smem:$0x7FF] =	sst s3;
	s6 =	sshrl.u32 s2, $0x2  }
0x9: {  	s5 =	sand.u32 $0x1, s4;
	s29 =	sshll.u32 s2, $0x8;
	s7 =	smul.u32 $0xC3800, s6  }
0xa: {  	s8 =	sshll.u32 s5, $0x7;
	s4 =	sand.u32 $0x300, s29;
	_ =	strace $0x80000047  }
0xb: {  	s11 =	ssub.s32 $0x2, s5;
	s13 =	sshll.u32 s6, $0x11;
	s8 =	sor.u32 s8, s4  }
0xc: {  	s4 =	sadd.s32 $0x40E00, s9;
	s30 =	sshrl.u32 s11, $0x1;
	s5 =	sor.u32 s7, s8  }
0xd: {  	s11 =	ssub.s32 s11, s30;
	s31 =	sor.u32 s13, s8;
	s7 =	sadd.s32 $0x41000, s9  }
0xe: {  	s8 =	sadd.s32 $0x41200, s9;
	s9 =	sadd.s32 $0x41400, s9;
	s12 =	sshrl.u32 s5, $0x3  }
0xf: {  	s13 =	simm.s32 $0x400;
	s6 =	sadd.s32 s1, s12;
	s12 =	sshrl.u32 s31, $0x3  }
0x10: {  	s11 =	smax.u32 s11, $0x1;
	s10 =	sadd.s32 s10, s12;
	s12 =	simm.s32 $0x80  }
.LBB2_1:
0x11: {  	[tilespmem:s3], [sflag:$0x3] =	stream.strided.gather [hbm4b:s6+s12], $0x18700, s13, s12, $0x38;
	[tilespmem:$0x1E700] =	vst v63  }
0x12: {  	_ =	swait.ge [sflag:s14], $0x18700  }
0x13: {  	[sflag:s14] =	ssyncset.done $0x0  }
0x14: {  	[sflag:s14] =	ssyncadd.s32 $0xFFFE7900  }
0x15: {  	[tilespmem:s15], [sflag:$0x1] =	stream.linear.gather [hbm4b:s4+s3], $0x1000, $0x38;
	[tilespmem:$0x1E700] =	vst v63  }
0x16: {  	_ =	swait.ge [sflag:s16], $0x1000  }
0x17: {  	[sflag:s16] =	ssyncset.done $0x0  }
0x18: {  	s21 =	simm.s32 $0x0;
	[sflag:s16] =	ssyncadd.s32 $0xFFFFF000  }
0x19: {  	[tilespmem:s17], [sflag:$0x2] =	stream.linear.gather [hbm4b:s7+s3], $0x1000, $0x38;
	[tilespmem:$0x1E700] =	vst v63  }
0x1a: {  	v0 =	vld [tilespmem:s21+$0x18700]  }
0x1b: {  	v1 =	vld [tilespmem:s21+$0x18770]  }
0x1c: {  	v2 =	vld [tilespmem:s21+$0x18710]  }
0x1d: {  	v3 =	vld [tilespmem:s21+$0x18720]  }
0x1e: {  	v4 =	vld [tilespmem:s21+$0x18730]  }
0x1f: {  	v7 =	vld [tilespmem:s21+$0x18740]  }
0x20: {  	v8 =	vld [tilespmem:s21+$0x18750]  }
0x21: {  	v9 =	vld [tilespmem:s21+$0x18760]  }
0x22: {  	v10 =	vld.idx.msk [tilespmem:v0+s3+$0x0], $0xffff  }
0x23: {  	v0 =	vld.idx.msk [tilespmem:v1+s3+$0x0], $0xffff  }
0x24: {  	v6 =	vld.idx.msk [tilespmem:v2+s3+$0x0], $0xffff  }
0x25: {  	v5 =	vld.idx.msk [tilespmem:v3+s3+$0x0], $0xffff  }
0x26: {  	v4 =	vld.idx.msk [tilespmem:v4+s3+$0x0], $0xffff  }
0x27: {  	v3 =	vld.idx.msk [tilespmem:v7+s3+$0x0], $0xffff  }
0x28: {  	v2 =	vld.idx.msk [tilespmem:v8+s3+$0x0], $0xffff  }
0x29: {  	s22 =	simm.s32 $0x80;
	v1 =	vld.idx.msk [tilespmem:v9+s3+$0x0], $0xffff;
	[tilespmem:s21+$0x1A770] =	vst v0  }
0x2a: {  	s23 =	simm.s32 $0x400;
	v0 =	vld [tilespmem:s22+$0x18700];
	[tilespmem:s21+$0x1A700] =	vst v10  }
.LBB2_2:
0x2b: {  	p0 =	sne.s32 s23, $0x3E00;
	v7 =	vld [tilespmem:s22+$0x18770];
	[tilespmem:s21+$0x1A710] =	vst v6  }
0x2c: {  	v6 =	vld [tilespmem:s22+$0x18710];
	[tilespmem:s21+$0x1A720] =	vst v5  }
0x2d: {  	v5 =	vld [tilespmem:s22+$0x18720];
	[tilespmem:s21+$0x1A730] =	vst v4  }
0x2e: {  	v4 =	vld [tilespmem:s22+$0x18730];
	[tilespmem:s21+$0x1A740] =	vst v3  }
0x2f: {  	v3 =	vld [tilespmem:s22+$0x18740];
	[tilespmem:s21+$0x1A750] =	vst v2  }
0x30: {  	v2 =	vld [tilespmem:s22+$0x18750];
	[tilespmem:s21+$0x1A760] =	vst v1;
	s21 =	smov.u32 s22  }
0x31: {  	v1 =	vld [tilespmem:s21+$0x18760]  }
0x32: {  	v8 =	vld.idx.msk [tilespmem:v0+s3+$0x0], $0xffff  }
0x33: {  	v0 =	vld.idx.msk [tilespmem:v7+s3+$0x0], $0xffff  }
0x34: {  	v6 =	vld.idx.msk [tilespmem:v6+s3+$0x0], $0xffff  }
0x35: {  	v5 =	vld.idx.msk [tilespmem:v5+s3+$0x0], $0xffff  }
.Ltmp0:
0x36: {  	v4 =	vld.idx.msk [tilespmem:v4+s3+$0x0], $0xffff;
	(pc) =	sbr.rel @p0 .LBB2_2-.Ltmp0, $4  }
0x37: {  	v3 =	vld.idx.msk [tilespmem:v3+s3+$0x0], $0xffff  }
0x38: {  	v2 =	vld.idx.msk [tilespmem:v2+s3+$0x0], $0xffff  }
0x39: {  	s22 =	sshra.s32 s23, $0x2;
	v1 =	vld.idx.msk [tilespmem:v1+s3+$0x0], $0xffff;
	[tilespmem:s21+$0x1A770] =	vst v0  }
0x3a: {  	s23 =	sadd.s32 $0x200, s23;
	v0 =	vld [tilespmem:s22+$0x18700];
	[tilespmem:s21+$0x1A700] =	vst v8  }
0x3b: {  	_ = 	snop  }
0x3c: {  	v7 =	vld [tilespmem:s22+$0x18770];
	[tilespmem:s21+$0x1A710] =	vst v6  }
0x3d: {  	v6 =	vld [tilespmem:s22+$0x18710];
	[tilespmem:s21+$0x1A720] =	vst v5  }
0x3e: {  	v5 =	vld [tilespmem:s22+$0x18720];
	[tilespmem:s21+$0x1A730] =	vst v4  }
0x3f: {  	v4 =	vld [tilespmem:s22+$0x18730];
	[tilespmem:s21+$0x1A740] =	vst v3  }
0x40: {  	v3 =	vld [tilespmem:s22+$0x18740];
	[tilespmem:s21+$0x1A750] =	vst v2  }
0x41: {  	v2 =	vld [tilespmem:s22+$0x18750];
	[tilespmem:s21+$0x1A760] =	vst v1  }
0x42: {  	v1 =	vld [tilespmem:s22+$0x18760]  }
0x43: {  	v0 =	vld.idx.msk [tilespmem:v0+s3+$0x0], $0xffff  }
0x44: {  	v7 =	vld.idx.msk [tilespmem:v7+s3+$0x0], $0xffff  }
0x45: {  	v6 =	vld.idx.msk [tilespmem:v6+s3+$0x0], $0xffff  }
0x46: {  	v5 =	vld.idx.msk [tilespmem:v5+s3+$0x0], $0xffff  }
0x47: {  	v4 =	vld.idx.msk [tilespmem:v4+s3+$0x0], $0xffff  }
0x48: {  	v3 =	vld.idx.msk [tilespmem:v3+s3+$0x0], $0xffff  }
0x49: {  	v2 =	vld.idx.msk [tilespmem:v2+s3+$0x0], $0xffff  }
0x4a: {  	v1 =	vld.idx.msk [tilespmem:v1+s3+$0x0], $0xffff;
	[tilespmem:s22+$0x1A770] =	vst v7  }
0x4b: {  	[tilespmem:s22+$0x1A700] =	vst v0  }
0x4c: {  	[tilespmem:s22+$0x1A710] =	vst v6  }
0x4d: {  	[tilespmem:s22+$0x1A720] =	vst v5  }
0x4e: {  	[tilespmem:s22+$0x1A730] =	vst v4  }
0x4f: {  	[tilespmem:s22+$0x1A740] =	vst v3  }
0x50: {  	[tilespmem:s22+$0x1A750] =	vst v2  }
0x51: {  	[tilespmem:s22+$0x1A760] =	vst v1  }
0x52: {  	_ =	swait.ge [sflag:s18], $0x1000  }
0x53: {  	[sflag:s18] =	ssyncset.done $0x0  }
0x54: {  	s31 =	simm.s32 $0x0;
	s21 =	simm.s32 $0x0;
	[sflag:s18] =	ssyncadd.s32 $0xFFFFF000  }
0x55: {  	[tilespmem:s15], [sflag:$0x1] =	stream.linear.gather [hbm4b:s8+s31], $0x1000, $0x38;
	[tilespmem:$0x1E700] =	vst v63  }
0x56: {  	v0 =	vld [tilespmem:s21+$0x19700]  }
0x57: {  	v1 =	vld [tilespmem:s21+$0x19770]  }
0x58: {  	v2 =	vld [tilespmem:s21+$0x19710]  }
0x59: {  	v3 =	vld [tilespmem:s21+$0x19720]  }
0x5a: {  	v4 =	vld [tilespmem:s21+$0x19730]  }
0x5b: {  	v7 =	vld [tilespmem:s21+$0x19740]  }
0x5c: {  	v8 =	vld [tilespmem:s21+$0x19750]  }
0x5d: {  	v9 =	vld [tilespmem:s21+$0x19760]  }
0x5e: {  	v10 =	vld.idx.msk [tilespmem:v0+s3+$0x0], $0xffff  }
0x5f: {  	v0 =	vld.idx.msk [tilespmem:v1+s3+$0x0], $0xffff  }
0x60: {  	v6 =	vld.idx.msk [tilespmem:v2+s3+$0x0], $0xffff  }
0x61: {  	v5 =	vld.idx.msk [tilespmem:v3+s3+$0x0], $0xffff  }
0x62: {  	v4 =	vld.idx.msk [tilespmem:v4+s3+$0x0], $0xffff  }
0x63: {  	v3 =	vld.idx.msk [tilespmem:v7+s3+$0x0], $0xffff  }
0x64: {  	v2 =	vld.idx.msk [tilespmem:v8+s3+$0x0], $0xffff  }
0x65: {  	s22 =	simm.s32 $0x80;
	v1 =	vld.idx.msk [tilespmem:v9+s3+$0x0], $0xffff;
	[tilespmem:s21+$0x1B770] =	vst v0  }
0x66: {  	s23 =	simm.s32 $0x400;
	v0 =	vld [tilespmem:s22+$0x19700];
	[tilespmem:s21+$0x1B700] =	vst v10  }
.LBB2_4:
0x67: {  	p0 =	sne.s32 s23, $0x3E00;
	v7 =	vld [tilespmem:s22+$0x19770];
	[tilespmem:s21+$0x1B710] =	vst v6  }
0x68: {  	v6 =	vld [tilespmem:s22+$0x19710];
	[tilespmem:s21+$0x1B720] =	vst v5  }
0x69: {  	v5 =	vld [tilespmem:s22+$0x19720];
	[tilespmem:s21+$0x1B730] =	vst v4  }
0x6a: {  	v4 =	vld [tilespmem:s22+$0x19730];
	[tilespmem:s21+$0x1B740] =	vst v3  }
0x6b: {  	v3 =	vld [tilespmem:s22+$0x19740];
	[tilespmem:s21+$0x1B750] =	vst v2  }
0x6c: {  	v2 =	vld [tilespmem:s22+$0x19750];
	[tilespmem:s21+$0x1B760] =	vst v1;
	s21 =	smov.u32 s22  }
0x6d: {  	v1 =	vld [tilespmem:s21+$0x19760]  }
0x6e: {  	v8 =	vld.idx.msk [tilespmem:v0+s3+$0x0], $0xffff  }
0x6f: {  	v0 =	vld.idx.msk [tilespmem:v7+s3+$0x0], $0xffff  }
0x70: {  	v6 =	vld.idx.msk [tilespmem:v6+s3+$0x0], $0xffff  }
0x71: {  	v5 =	vld.idx.msk [tilespmem:v5+s3+$0x0], $0xffff  }
.Ltmp1:
0x72: {  	v4 =	vld.idx.msk [tilespmem:v4+s3+$0x0], $0xffff;
	(pc) =	sbr.rel @p0 .LBB2_4-.Ltmp1, $4  }
0x73: {  	v3 =	vld.idx.msk [tilespmem:v3+s3+$0x0], $0xffff  }
0x74: {  	v2 =	vld.idx.msk [tilespmem:v2+s3+$0x0], $0xffff  }
0x75: {  	s22 =	sshra.s32 s23, $0x2;
	v1 =	vld.idx.msk [tilespmem:v1+s3+$0x0], $0xffff;
	[tilespmem:s21+$0x1B770] =	vst v0  }
0x76: {  	s23 =	sadd.s32 $0x200, s23;
	v0 =	vld [tilespmem:s22+$0x19700];
	[tilespmem:s21+$0x1B700] =	vst v8  }
0x77: {  	_ = 	snop  }
0x78: {  	v7 =	vld [tilespmem:s22+$0x19770];
	[tilespmem:s21+$0x1B710] =	vst v6  }
0x79: {  	v6 =	vld [tilespmem:s22+$0x19710];
	[tilespmem:s21+$0x1B720] =	vst v5  }
0x7a: {  	v5 =	vld [tilespmem:s22+$0x19720];
	[tilespmem:s21+$0x1B730] =	vst v4  }
0x7b: {  	v4 =	vld [tilespmem:s22+$0x19730];
	[tilespmem:s21+$0x1B740] =	vst v3  }
0x7c: {  	v3 =	vld [tilespmem:s22+$0x19740];
	[tilespmem:s21+$0x1B750] =	vst v2  }
0x7d: {  	v2 =	vld [tilespmem:s22+$0x19750];
	[tilespmem:s21+$0x1B760] =	vst v1  }
0x7e: {  	v1 =	vld [tilespmem:s22+$0x19760]  }
0x7f: {  	v0 =	vld.idx.msk [tilespmem:v0+s3+$0x0], $0xffff  }
0x80: {  	v7 =	vld.idx.msk [tilespmem:v7+s3+$0x0], $0xffff  }
0x81: {  	v6 =	vld.idx.msk [tilespmem:v6+s3+$0x0], $0xffff  }
0x82: {  	v5 =	vld.idx.msk [tilespmem:v5+s3+$0x0], $0xffff  }
0x83: {  	v4 =	vld.idx.msk [tilespmem:v4+s3+$0x0], $0xffff  }
0x84: {  	v3 =	vld.idx.msk [tilespmem:v3+s3+$0x0], $0xffff  }
0x85: {  	v2 =	vld.idx.msk [tilespmem:v2+s3+$0x0], $0xffff  }
0x86: {  	v1 =	vld.idx.msk [tilespmem:v1+s3+$0x0], $0xffff;
	[tilespmem:s22+$0x1B770] =	vst v7  }
0x87: {  	[tilespmem:s22+$0x1B700] =	vst v0  }
0x88: {  	[tilespmem:s22+$0x1B710] =	vst v6  }
0x89: {  	[tilespmem:s22+$0x1B720] =	vst v5  }
0x8a: {  	[tilespmem:s22+$0x1B730] =	vst v4  }
0x8b: {  	[tilespmem:s22+$0x1B740] =	vst v3  }
0x8c: {  	[tilespmem:s22+$0x1B750] =	vst v2  }
0x8d: {  	[tilespmem:s22+$0x1B760] =	vst v1  }
0x8e: {  	_ =	swait.ge [sflag:s16], $0x1000  }
0x8f: {  	[sflag:s16] =	ssyncset.done $0x0  }
0x90: {  	s31 =	simm.s32 $0x0;
	s21 =	simm.s32 $0x0;
	[sflag:s16] =	ssyncadd.s32 $0xFFFFF000  }
0x91: {  	[tilespmem:s17], [sflag:$0x2] =	stream.linear.gather [hbm4b:s9+s31], $0x1000, $0x38;
	[tilespmem:$0x1E700] =	vst v63  }
0x92: {  	v0 =	vld [tilespmem:s21+$0x18700]  }
0x93: {  	v1 =	vld [tilespmem:s21+$0x18770]  }
0x94: {  	v2 =	vld [tilespmem:s21+$0x18710]  }
0x95: {  	v3 =	vld [tilespmem:s21+$0x18720]  }
0x96: {  	v4 =	vld [tilespmem:s21+$0x18730]  }
0x97: {  	v7 =	vld [tilespmem:s21+$0x18740]  }
0x98: {  	v8 =	vld [tilespmem:s21+$0x18750]  }
0x99: {  	v9 =	vld [tilespmem:s21+$0x18760]  }
0x9a: {  	v10 =	vld.idx.msk [tilespmem:v0+s3+$0x0], $0xffff  }
0x9b: {  	v0 =	vld.idx.msk [tilespmem:v1+s3+$0x0], $0xffff  }
0x9c: {  	v6 =	vld.idx.msk [tilespmem:v2+s3+$0x0], $0xffff  }
0x9d: {  	v5 =	vld.idx.msk [tilespmem:v3+s3+$0x0], $0xffff  }
0x9e: {  	v4 =	vld.idx.msk [tilespmem:v4+s3+$0x0], $0xffff  }
0x9f: {  	v3 =	vld.idx.msk [tilespmem:v7+s3+$0x0], $0xffff  }
0xa0: {  	v2 =	vld.idx.msk [tilespmem:v8+s3+$0x0], $0xffff  }
0xa1: {  	s22 =	simm.s32 $0x80;
	v1 =	vld.idx.msk [tilespmem:v9+s3+$0x0], $0xffff;
	[tilespmem:s21+$0x1C770] =	vst v0  }
0xa2: {  	s23 =	simm.s32 $0x400;
	v0 =	vld [tilespmem:s22+$0x18700];
	[tilespmem:s21+$0x1C700] =	vst v10  }
.LBB2_6:
0xa3: {  	p0 =	sne.s32 s23, $0x3E00;
	v7 =	vld [tilespmem:s22+$0x18770];
	[tilespmem:s21+$0x1C710] =	vst v6  }
0xa4: {  	v6 =	vld [tilespmem:s22+$0x18710];
	[tilespmem:s21+$0x1C720] =	vst v5  }
0xa5: {  	v5 =	vld [tilespmem:s22+$0x18720];
	[tilespmem:s21+$0x1C730] =	vst v4  }
0xa6: {  	v4 =	vld [tilespmem:s22+$0x18730];
	[tilespmem:s21+$0x1C740] =	vst v3  }
0xa7: {  	v3 =	vld [tilespmem:s22+$0x18740];
	[tilespmem:s21+$0x1C750] =	vst v2  }
0xa8: {  	v2 =	vld [tilespmem:s22+$0x18750];
	[tilespmem:s21+$0x1C760] =	vst v1;
	s21 =	smov.u32 s22  }
0xa9: {  	v1 =	vld [tilespmem:s21+$0x18760]  }
0xaa: {  	v8 =	vld.idx.msk [tilespmem:v0+s3+$0x0], $0xffff  }
0xab: {  	v0 =	vld.idx.msk [tilespmem:v7+s3+$0x0], $0xffff  }
0xac: {  	v6 =	vld.idx.msk [tilespmem:v6+s3+$0x0], $0xffff  }
0xad: {  	v5 =	vld.idx.msk [tilespmem:v5+s3+$0x0], $0xffff  }
.Ltmp2:
0xae: {  	v4 =	vld.idx.msk [tilespmem:v4+s3+$0x0], $0xffff;
	(pc) =	sbr.rel @p0 .LBB2_6-.Ltmp2, $4  }
0xaf: {  	v3 =	vld.idx.msk [tilespmem:v3+s3+$0x0], $0xffff  }
0xb0: {  	v2 =	vld.idx.msk [tilespmem:v2+s3+$0x0], $0xffff  }
0xb1: {  	s22 =	sshra.s32 s23, $0x2;
	v1 =	vld.idx.msk [tilespmem:v1+s3+$0x0], $0xffff;
	[tilespmem:s21+$0x1C770] =	vst v0  }
0xb2: {  	s23 =	sadd.s32 $0x200, s23;
	v0 =	vld [tilespmem:s22+$0x18700];
	[tilespmem:s21+$0x1C700] =	vst v8  }
0xb3: {  	_ = 	snop  }
0xb4: {  	v7 =	vld [tilespmem:s22+$0x18770];
	[tilespmem:s21+$0x1C710] =	vst v6  }
0xb5: {  	v6 =	vld [tilespmem:s22+$0x18710];
	[tilespmem:s21+$0x1C720] =	vst v5  }
0xb6: {  	v5 =	vld [tilespmem:s22+$0x18720];
	[tilespmem:s21+$0x1C730] =	vst v4  }
0xb7: {  	v4 =	vld [tilespmem:s22+$0x18730];
	[tilespmem:s21+$0x1C740] =	vst v3  }
0xb8: {  	v3 =	vld [tilespmem:s22+$0x18740];
	[tilespmem:s21+$0x1C750] =	vst v2  }
0xb9: {  	v2 =	vld [tilespmem:s22+$0x18750];
	[tilespmem:s21+$0x1C760] =	vst v1  }
0xba: {  	v1 =	vld [tilespmem:s22+$0x18760]  }
0xbb: {  	v0 =	vld.idx.msk [tilespmem:v0+s3+$0x0], $0xffff  }
0xbc: {  	v7 =	vld.idx.msk [tilespmem:v7+s3+$0x0], $0xffff  }
0xbd: {  	v6 =	vld.idx.msk [tilespmem:v6+s3+$0x0], $0xffff  }
0xbe: {  	v5 =	vld.idx.msk [tilespmem:v5+s3+$0x0], $0xffff  }
0xbf: {  	v4 =	vld.idx.msk [tilespmem:v4+s3+$0x0], $0xffff  }
0xc0: {  	v3 =	vld.idx.msk [tilespmem:v3+s3+$0x0], $0xffff  }
0xc1: {  	v2 =	vld.idx.msk [tilespmem:v2+s3+$0x0], $0xffff  }
0xc2: {  	v1 =	vld.idx.msk [tilespmem:v1+s3+$0x0], $0xffff;
	[tilespmem:s22+$0x1C770] =	vst v7  }
0xc3: {  	[tilespmem:s22+$0x1C700] =	vst v0  }
0xc4: {  	[tilespmem:s22+$0x1C710] =	vst v6  }
0xc5: {  	[tilespmem:s22+$0x1C720] =	vst v5  }
0xc6: {  	[tilespmem:s22+$0x1C730] =	vst v4  }
0xc7: {  	[tilespmem:s22+$0x1C740] =	vst v3  }
0xc8: {  	[tilespmem:s22+$0x1C750] =	vst v2  }
0xc9: {  	[tilespmem:s22+$0x1C760] =	vst v1  }
0xca: {  	_ =	swait.ge [sflag:s18], $0x1000  }
0xcb: {  	[sflag:s18] =	ssyncset.done $0x0  }
0xcc: {  	s21 =	simm.s32 $0x0;
	[sflag:s18] =	ssyncadd.s32 $0xFFFFF000  }
0xcd: {  	v0 =	vld [tilespmem:s21+$0x19700]  }
0xce: {  	v1 =	vld [tilespmem:s21+$0x19770]  }
0xcf: {  	v2 =	vld [tilespmem:s21+$0x19710]  }
0xd0: {  	v3 =	vld [tilespmem:s21+$0x19720]  }
0xd1: {  	v4 =	vld [tilespmem:s21+$0x19730]  }
0xd2: {  	v7 =	vld [tilespmem:s21+$0x19740]  }
0xd3: {  	v8 =	vld [tilespmem:s21+$0x19750]  }
0xd4: {  	v9 =	vld [tilespmem:s21+$0x19760]  }
0xd5: {  	v10 =	vld.idx.msk [tilespmem:v0+s3+$0x0], $0xffff  }
0xd6: {  	v0 =	vld.idx.msk [tilespmem:v1+s3+$0x0], $0xffff  }
0xd7: {  	v6 =	vld.idx.msk [tilespmem:v2+s3+$0x0], $0xffff  }
0xd8: {  	v5 =	vld.idx.msk [tilespmem:v3+s3+$0x0], $0xffff  }
0xd9: {  	v4 =	vld.idx.msk [tilespmem:v4+s3+$0x0], $0xffff  }
0xda: {  	v3 =	vld.idx.msk [tilespmem:v7+s3+$0x0], $0xffff  }
0xdb: {  	v2 =	vld.idx.msk [tilespmem:v8+s3+$0x0], $0xffff  }
0xdc: {  	s22 =	simm.s32 $0x80;
	v1 =	vld.idx.msk [tilespmem:v9+s3+$0x0], $0xffff;
	[tilespmem:s21+$0x1D770] =	vst v0  }
0xdd: {  	s23 =	simm.s32 $0x400;
	v0 =	vld [tilespmem:s22+$0x19700];
	[tilespmem:s21+$0x1D700] =	vst v10  }
.LBB2_8:
0xde: {  	p0 =	sne.s32 s23, $0x3E00;
	v7 =	vld [tilespmem:s22+$0x19770];
	[tilespmem:s21+$0x1D710] =	vst v6  }
0xdf: {  	v6 =	vld [tilespmem:s22+$0x19710];
	[tilespmem:s21+$0x1D720] =	vst v5  }
0xe0: {  	v5 =	vld [tilespmem:s22+$0x19720];
	[tilespmem:s21+$0x1D730] =	vst v4  }
0xe1: {  	v4 =	vld [tilespmem:s22+$0x19730];
	[tilespmem:s21+$0x1D740] =	vst v3  }
0xe2: {  	v3 =	vld [tilespmem:s22+$0x19740];
	[tilespmem:s21+$0x1D750] =	vst v2  }
0xe3: {  	v2 =	vld [tilespmem:s22+$0x19750];
	[tilespmem:s21+$0x1D760] =	vst v1;
	s21 =	smov.u32 s22  }
0xe4: {  	v1 =	vld [tilespmem:s21+$0x19760]  }
0xe5: {  	v8 =	vld.idx.msk [tilespmem:v0+s3+$0x0], $0xffff  }
0xe6: {  	v0 =	vld.idx.msk [tilespmem:v7+s3+$0x0], $0xffff  }
0xe7: {  	v6 =	vld.idx.msk [tilespmem:v6+s3+$0x0], $0xffff  }
0xe8: {  	v5 =	vld.idx.msk [tilespmem:v5+s3+$0x0], $0xffff  }
.Ltmp3:
0xe9: {  	v4 =	vld.idx.msk [tilespmem:v4+s3+$0x0], $0xffff;
	(pc) =	sbr.rel @p0 .LBB2_8-.Ltmp3, $4  }
0xea: {  	v3 =	vld.idx.msk [tilespmem:v3+s3+$0x0], $0xffff  }
0xeb: {  	v2 =	vld.idx.msk [tilespmem:v2+s3+$0x0], $0xffff  }
0xec: {  	s22 =	sshra.s32 s23, $0x2;
	v1 =	vld.idx.msk [tilespmem:v1+s3+$0x0], $0xffff;
	[tilespmem:s21+$0x1D770] =	vst v0  }
0xed: {  	s23 =	sadd.s32 $0x200, s23;
	v0 =	vld [tilespmem:s22+$0x19700];
	[tilespmem:s21+$0x1D700] =	vst v8  }
0xee: {  	_ = 	snop  }
0xef: {  	v7 =	vld [tilespmem:s22+$0x19770];
	[tilespmem:s21+$0x1D710] =	vst v6  }
0xf0: {  	v6 =	vld [tilespmem:s22+$0x19710];
	[tilespmem:s21+$0x1D720] =	vst v5  }
0xf1: {  	v5 =	vld [tilespmem:s22+$0x19720];
	[tilespmem:s21+$0x1D730] =	vst v4  }
0xf2: {  	v4 =	vld [tilespmem:s22+$0x19730];
	[tilespmem:s21+$0x1D740] =	vst v3  }
0xf3: {  	v3 =	vld [tilespmem:s22+$0x19740];
	[tilespmem:s21+$0x1D750] =	vst v2  }
0xf4: {  	v2 =	vld [tilespmem:s22+$0x19750];
	[tilespmem:s21+$0x1D760] =	vst v1  }
0xf5: {  	v1 =	vld [tilespmem:s22+$0x19760]  }
0xf6: {  	v0 =	vld.idx.msk [tilespmem:v0+s3+$0x0], $0xffff  }
0xf7: {  	v7 =	vld.idx.msk [tilespmem:v7+s3+$0x0], $0xffff  }
0xf8: {  	v6 =	vld.idx.msk [tilespmem:v6+s3+$0x0], $0xffff  }
0xf9: {  	v5 =	vld.idx.msk [tilespmem:v5+s3+$0x0], $0xffff  }
0xfa: {  	v4 =	vld.idx.msk [tilespmem:v4+s3+$0x0], $0xffff  }
0xfb: {  	v3 =	vld.idx.msk [tilespmem:v3+s3+$0x0], $0xffff  }
0xfc: {  	v2 =	vld.idx.msk [tilespmem:v2+s3+$0x0], $0xffff  }
0xfd: {  	v1 =	vld.idx.msk [tilespmem:v1+s3+$0x0], $0xffff;
	[tilespmem:s22+$0x1D770] =	vst v7  }
0xfe: {  	[tilespmem:s22+$0x1D700] =	vst v0  }
0xff: {  	[tilespmem:s22+$0x1D710] =	vst v6  }
0x100: {  	[tilespmem:s22+$0x1D720] =	vst v5  }
0x101: {  	[tilespmem:s22+$0x1D730] =	vst v4  }
0x102: {  	[tilespmem:s22+$0x1D740] =	vst v3  }
0x103: {  	[tilespmem:s22+$0x1D750] =	vst v2  }
0x104: {  	s21 =	simm.s32 $0x1;
	[tilespmem:s22+$0x1D760] =	vst v1  }
.LBB2_10:
0x105: {  	s22 =	smul.u32 $0x30E000, s21;
	_ =	sdelay $0x1  }
0x106: {  	s22 =	sadd.s32 s5, s22  }
0x107: {  	s22 =	sshrl.u32 s22, $0x3  }
0x108: {  	s23 =	simm.s32 $0x0;
	s22 =	sadd.s32 s1, s22  }
0x109: {  	[tilespmem:s23], [sflag:$0x3] =	stream.strided.gather [hbm4b:s22+s12], $0x18700, s13, s12, $0x38;
	[tilespmem:$0x1E700] =	vst v63  }
0x10a: {  	_ =	swait.ge [sflag:s14], $0x18700  }
0x10b: {  	s22 =	sshll.u32 s21, $0xB;
	[sflag:s14] =	ssyncset.done $0x0  }
0x10c: {  	s24 =	sadd.s32 s4, s22;
	[sflag:s14] =	ssyncadd.s32 $0xFFFE7900  }
0x10d: {  	[tilespmem:s15], [sflag:$0x1] =	stream.linear.gather [hbm4b:s24+s23], $0x1000, $0x38;
	[tilespmem:$0x1E700] =	vst v63  }
0x10e: {  	_ =	swait.ge [sflag:s16], $0x1000  }
0x10f: {  	[sflag:s16] =	ssyncset.done $0x0  }
0x110: {  	s31 =	sadd.s32 s22, s7;
	[sflag:s16] =	ssyncadd.s32 $0xFFFFF000  }
0x111: {  	[tilespmem:s17], [sflag:$0x2] =	stream.linear.gather [hbm4b:s31+s23], $0x1000, $0x38;
	[tilespmem:$0x1E700] =	vst v63  }
0x112: {  	s23 =	simm.s32 $0x0  }
0x113: {  	v6 =	vld [tilespmem:s23+$0x18770]  }
0x114: {  	v7 =	vld [tilespmem:s23+$0x1A760]  }
0x115: {  	v5 =	vld [tilespmem:s23+$0x18760]  }
0x116: {  	v1 =	vld [tilespmem:s23+$0x1A720]  }
0x117: {  	v3 =	vld [tilespmem:s23+$0x1A770]  }
0x118: {  	v0 =	vld [tilespmem:s23+$0x1A700]  }
0x119: {  	v8 =	vld [tilespmem:s23+$0x18720]  }
0x11a: {  	v2 =	vld [tilespmem:s23+$0x1A710]  }
0x11b: {  	v4 =	vld [tilespmem:s23+$0x1A730]  }
0x11c: {  	v14 =	vld [tilespmem:s23+$0x18750]  }
0x11d: {  	v9 =	vld [tilespmem:s23+$0x18730]  }
0x11e: {  	v11 =	vld [tilespmem:s23+$0x18710]  }
0x11f: {  	v13 =	vld [tilespmem:s23+$0x18700]  }
0x120: {  	v15 =	vld [tilespmem:s23+$0x18740]  }
0x121: {  	v8 =	vld.idx.msk [tilespmem:v8+s3+$0x0], $0xffff  }
0x122: {  	v16 =	vld.idx.msk [tilespmem:v5+s3+$0x0], $0xffff  }
0x123: {  	v5 =	vld [tilespmem:s23+$0x1A740]  }
0x124: {  	v12 =	vld.idx.msk [tilespmem:v6+s3+$0x0], $0xffff  }
0x125: {  	v10 =	vld.idx.msk [tilespmem:v9+s3+$0x0], $0xffff  }
0x126: {  	v9 =	vld.idx.msk [tilespmem:v11+s3+$0x0], $0xffff  }
0x127: {  	v11 =	vld.idx.msk [tilespmem:v13+s3+$0x0], $0xffff  }
0x128: {  	v6 =	vld.idx.msk [tilespmem:v15+s3+$0x0], $0xffff  }
0x129: {  	s24 =	simm.s32 $0x200;
	v13 =	vadd.f32 v7, v16;
	v7 =	vld.idx.msk [tilespmem:v14+s3+$0x0], $0xffff  }
.LBB2_11:
0x12a: {  	s25 =	sshra.s32 s24, $0x2;
	p0 =	sne.s32 s24, $0x3E00;
	s24 =	sadd.s32 $0x200, s24;
	v14 =	vld [tilespmem:s23+$0x1A750];
	v3 =	vadd.f32 v3, v12  }
0x12b: {  	v1 =	vadd.f32 v1, v8;
	v12 =	vld [tilespmem:s25+$0x18770];
	[tilespmem:s23+$0x1A760] =	vst v13  }
0x12c: {  	v4 =	vadd.f32 v4, v10;
	v13 =	vld [tilespmem:s25+$0x1A760];
	[tilespmem:s23+$0x1A770] =	vst v3  }
0x12d: {  	v2 =	vadd.f32 v2, v9;
	v0 =	vadd.f32 v0, v11;
	v10 =	vld [tilespmem:s25+$0x18760];
	[tilespmem:s23+$0x1A720] =	vst v1  }
0x12e: {  	v1 =	vld [tilespmem:s25+$0x1A720];
	[tilespmem:s23+$0x1A730] =	vst v4;
	v4 =	vadd.f32 v5, v6  }
0x12f: {  	v3 =	vld [tilespmem:s25+$0x1A770];
	[tilespmem:s23+$0x1A700] =	vst v0;
	v5 =	vadd.f32 v14, v7  }
0x130: {  	v0 =	vld [tilespmem:s25+$0x1A700];
	[tilespmem:s23+$0x1A710] =	vst v2  }
0x131: {  	v6 =	vld [tilespmem:s25+$0x18720];
	[tilespmem:s23+$0x1A740] =	vst v4  }
0x132: {  	v2 =	vld [tilespmem:s25+$0x1A710];
	[tilespmem:s23+$0x1A750] =	vst v5;
	s23 =	smov.u32 s25  }
0x133: {  	v4 =	vld [tilespmem:s23+$0x1A730]  }
0x134: {  	v7 =	vld [tilespmem:s23+$0x18750]  }
0x135: {  	v9 =	vld [tilespmem:s23+$0x18730]  }
0x136: {  	v11 =	vld [tilespmem:s23+$0x18710]  }
0x137: {  	v14 =	vld [tilespmem:s23+$0x18700]  }
0x138: {  	v15 =	vld [tilespmem:s23+$0x18740]  }
0x139: {  	v8 =	vld.idx.msk [tilespmem:v6+s3+$0x0], $0xffff  }
0x13a: {  	v16 =	vld.idx.msk [tilespmem:v10+s3+$0x0], $0xffff  }
0x13b: {  	v5 =	vld [tilespmem:s23+$0x1A740]  }
0x13c: {  	v12 =	vld.idx.msk [tilespmem:v12+s3+$0x0], $0xffff  }
.Ltmp4:
0x13d: {  	v10 =	vld.idx.msk [tilespmem:v9+s3+$0x0], $0xffff;
	(pc) =	sbr.rel @p0 .LBB2_11-.Ltmp4, $4  }
0x13e: {  	v9 =	vld.idx.msk [tilespmem:v11+s3+$0x0], $0xffff  }
0x13f: {  	v11 =	vld.idx.msk [tilespmem:v14+s3+$0x0], $0xffff  }
0x140: {  	v13 =	vadd.f32 v13, v16;
	v6 =	vld.idx.msk [tilespmem:v15+s3+$0x0], $0xffff  }
0x141: {  	v7 =	vld.idx.msk [tilespmem:v7+s3+$0x0], $0xffff  }
0x142: {  	v3 =	vadd.f32 v3, v12  }
0x143: {  	v14 =	vld [tilespmem:s23+$0x1A750];
	v1 =	vadd.f32 v1, v8;
	[tilespmem:s23+$0x1A760] =	vst v13  }
0x144: {  	v4 =	vadd.f32 v4, v10;
	[tilespmem:s23+$0x1A770] =	vst v3  }
0x145: {  	v0 =	vadd.f32 v0, v11;
	[tilespmem:s23+$0x1A720] =	vst v1  }
0x146: {  	v1 =	vadd.f32 v2, v9;
	[tilespmem:s23+$0x1A730] =	vst v4  }
0x147: {  	v2 =	vadd.f32 v5, v6;
	[tilespmem:s23+$0x1A700] =	vst v0  }
0x148: {  	[tilespmem:s23+$0x1A710] =	vst v1;
	v0 =	vadd.f32 v14, v7  }
0x149: {  	[tilespmem:s23+$0x1A740] =	vst v2  }
0x14a: {  	[tilespmem:s23+$0x1A750] =	vst v0  }
0x14b: {  	_ =	swait.ge [sflag:s18], $0x1000  }
0x14c: {  	s31 =	sadd.s32 s22, s8;
	[sflag:s18] =	ssyncset.done $0x0  }
0x14d: {  	s24 =	simm.s32 $0x0;
	s23 =	simm.s32 $0x0;
	[sflag:s18] =	ssyncadd.s32 $0xFFFFF000  }
0x14e: {  	[tilespmem:s15], [sflag:$0x1] =	stream.linear.gather [hbm4b:s31+s24], $0x1000, $0x38;
	[tilespmem:$0x1E700] =	vst v63  }
0x14f: {  	v6 =	vld [tilespmem:s23+$0x19770]  }
0x150: {  	v7 =	vld [tilespmem:s23+$0x1B760]  }
0x151: {  	v5 =	vld [tilespmem:s23+$0x19760]  }
0x152: {  	v1 =	vld [tilespmem:s23+$0x1B720]  }
0x153: {  	v3 =	vld [tilespmem:s23+$0x1B770]  }
0x154: {  	v0 =	vld [tilespmem:s23+$0x1B700]  }
0x155: {  	v8 =	vld [tilespmem:s23+$0x19720]  }
0x156: {  	v2 =	vld [tilespmem:s23+$0x1B710]  }
0x157: {  	v4 =	vld [tilespmem:s23+$0x1B730]  }
0x158: {  	v14 =	vld [tilespmem:s23+$0x19750]  }
0x159: {  	v9 =	vld [tilespmem:s23+$0x19730]  }
0x15a: {  	v11 =	vld [tilespmem:s23+$0x19710]  }
0x15b: {  	v13 =	vld [tilespmem:s23+$0x19700]  }
0x15c: {  	v15 =	vld [tilespmem:s23+$0x19740]  }
0x15d: {  	v8 =	vld.idx.msk [tilespmem:v8+s3+$0x0], $0xffff  }
0x15e: {  	v16 =	vld.idx.msk [tilespmem:v5+s3+$0x0], $0xffff  }
0x15f: {  	v5 =	vld [tilespmem:s23+$0x1B740]  }
0x160: {  	v12 =	vld.idx.msk [tilespmem:v6+s3+$0x0], $0xffff  }
0x161: {  	v10 =	vld.idx.msk [tilespmem:v9+s3+$0x0], $0xffff  }
0x162: {  	v9 =	vld.idx.msk [tilespmem:v11+s3+$0x0], $0xffff  }
0x163: {  	v11 =	vld.idx.msk [tilespmem:v13+s3+$0x0], $0xffff  }
0x164: {  	v6 =	vld.idx.msk [tilespmem:v15+s3+$0x0], $0xffff  }
0x165: {  	s24 =	simm.s32 $0x200;
	v13 =	vadd.f32 v7, v16;
	v7 =	vld.idx.msk [tilespmem:v14+s3+$0x0], $0xffff  }
.LBB2_13:
0x166: {  	s25 =	sshra.s32 s24, $0x2;
	p0 =	sne.s32 s24, $0x3E00;
	s24 =	sadd.s32 $0x200, s24;
	v14 =	vld [tilespmem:s23+$0x1B750];
	v3 =	vadd.f32 v3, v12  }
0x167: {  	v1 =	vadd.f32 v1, v8;
	v12 =	vld [tilespmem:s25+$0x19770];
	[tilespmem:s23+$0x1B760] =	vst v13  }
0x168: {  	v4 =	vadd.f32 v4, v10;
	v13 =	vld [tilespmem:s25+$0x1B760];
	[tilespmem:s23+$0x1B770] =	vst v3  }
0x169: {  	v2 =	vadd.f32 v2, v9;
	v0 =	vadd.f32 v0, v11;
	v10 =	vld [tilespmem:s25+$0x19760];
	[tilespmem:s23+$0x1B720] =	vst v1  }
0x16a: {  	v1 =	vld [tilespmem:s25+$0x1B720];
	[tilespmem:s23+$0x1B730] =	vst v4;
	v4 =	vadd.f32 v5, v6  }
0x16b: {  	v3 =	vld [tilespmem:s25+$0x1B770];
	[tilespmem:s23+$0x1B700] =	vst v0;
	v5 =	vadd.f32 v14, v7  }
0x16c: {  	v0 =	vld [tilespmem:s25+$0x1B700];
	[tilespmem:s23+$0x1B710] =	vst v2  }
0x16d: {  	v6 =	vld [tilespmem:s25+$0x19720];
	[tilespmem:s23+$0x1B740] =	vst v4  }
0x16e: {  	v2 =	vld [tilespmem:s25+$0x1B710];
	[tilespmem:s23+$0x1B750] =	vst v5;
	s23 =	smov.u32 s25  }
0x16f: {  	v4 =	vld [tilespmem:s23+$0x1B730]  }
0x170: {  	v7 =	vld [tilespmem:s23+$0x19750]  }
0x171: {  	v9 =	vld [tilespmem:s23+$0x19730]  }
0x172: {  	v11 =	vld [tilespmem:s23+$0x19710]  }
0x173: {  	v14 =	vld [tilespmem:s23+$0x19700]  }
0x174: {  	v15 =	vld [tilespmem:s23+$0x19740]  }
0x175: {  	v8 =	vld.idx.msk [tilespmem:v6+s3+$0x0], $0xffff  }
0x176: {  	v16 =	vld.idx.msk [tilespmem:v10+s3+$0x0], $0xffff  }
0x177: {  	v5 =	vld [tilespmem:s23+$0x1B740]  }
0x178: {  	v12 =	vld.idx.msk [tilespmem:v12+s3+$0x0], $0xffff  }
.Ltmp5:
0x179: {  	v10 =	vld.idx.msk [tilespmem:v9+s3+$0x0], $0xffff;
	(pc) =	sbr.rel @p0 .LBB2_13-.Ltmp5, $4  }
0x17a: {  	v9 =	vld.idx.msk [tilespmem:v11+s3+$0x0], $0xffff  }
0x17b: {  	v11 =	vld.idx.msk [tilespmem:v14+s3+$0x0], $0xffff  }
0x17c: {  	v13 =	vadd.f32 v13, v16;
	v6 =	vld.idx.msk [tilespmem:v15+s3+$0x0], $0xffff  }
0x17d: {  	v7 =	vld.idx.msk [tilespmem:v7+s3+$0x0], $0xffff  }
0x17e: {  	v3 =	vadd.f32 v3, v12  }
0x17f: {  	v14 =	vld [tilespmem:s23+$0x1B750];
	v1 =	vadd.f32 v1, v8;
	[tilespmem:s23+$0x1B760] =	vst v13  }
0x180: {  	v4 =	vadd.f32 v4, v10;
	[tilespmem:s23+$0x1B770] =	vst v3  }
0x181: {  	v0 =	vadd.f32 v0, v11;
	[tilespmem:s23+$0x1B720] =	vst v1  }
0x182: {  	v1 =	vadd.f32 v2, v9;
	[tilespmem:s23+$0x1B730] =	vst v4  }
0x183: {  	v2 =	vadd.f32 v5, v6;
	[tilespmem:s23+$0x1B700] =	vst v0  }
0x184: {  	[tilespmem:s23+$0x1B710] =	vst v1;
	v0 =	vadd.f32 v14, v7  }
0x185: {  	[tilespmem:s23+$0x1B740] =	vst v2  }
0x186: {  	[tilespmem:s23+$0x1B750] =	vst v0  }
0x187: {  	_ =	swait.ge [sflag:s16], $0x1000  }
0x188: {  	[sflag:s16] =	ssyncset.done $0x0  }
0x189: {  	s22 =	sadd.s32 s22, s9;
	s31 =	simm.s32 $0x0;
	[sflag:s16] =	ssyncadd.s32 $0xFFFFF000  }
0x18a: {  	[tilespmem:s17], [sflag:$0x2] =	stream.linear.gather [hbm4b:s22+s31], $0x1000, $0x38;
	[tilespmem:$0x1E700] =	vst v63  }
0x18b: {  	s22 =	simm.s32 $0x0  }
0x18c: {  	v6 =	vld [tilespmem:s22+$0x18770]  }
0x18d: {  	v7 =	vld [tilespmem:s22+$0x1C760]  }
0x18e: {  	v5 =	vld [tilespmem:s22+$0x18760]  }
0x18f: {  	v1 =	vld [tilespmem:s22+$0x1C720]  }
0x190: {  	v3 =	vld [tilespmem:s22+$0x1C770]  }
0x191: {  	v0 =	vld [tilespmem:s22+$0x1C700]  }
0x192: {  	v8 =	vld [tilespmem:s22+$0x18720]  }
0x193: {  	v2 =	vld [tilespmem:s22+$0x1C710]  }
0x194: {  	v4 =	vld [tilespmem:s22+$0x1C730]  }
0x195: {  	v14 =	vld [tilespmem:s22+$0x18750]  }
0x196: {  	v9 =	vld [tilespmem:s22+$0x18730]  }
0x197: {  	v11 =	vld [tilespmem:s22+$0x18710]  }
0x198: {  	v13 =	vld [tilespmem:s22+$0x18700]  }
0x199: {  	v15 =	vld [tilespmem:s22+$0x18740]  }
0x19a: {  	v8 =	vld.idx.msk [tilespmem:v8+s3+$0x0], $0xffff  }
0x19b: {  	v16 =	vld.idx.msk [tilespmem:v5+s3+$0x0], $0xffff  }
0x19c: {  	v5 =	vld [tilespmem:s22+$0x1C740]  }
0x19d: {  	v12 =	vld.idx.msk [tilespmem:v6+s3+$0x0], $0xffff  }
0x19e: {  	v10 =	vld.idx.msk [tilespmem:v9+s3+$0x0], $0xffff  }
0x19f: {  	v9 =	vld.idx.msk [tilespmem:v11+s3+$0x0], $0xffff  }
0x1a0: {  	v11 =	vld.idx.msk [tilespmem:v13+s3+$0x0], $0xffff  }
0x1a1: {  	v6 =	vld.idx.msk [tilespmem:v15+s3+$0x0], $0xffff  }
0x1a2: {  	s23 =	simm.s32 $0x200;
	v13 =	vadd.f32 v7, v16;
	v7 =	vld.idx.msk [tilespmem:v14+s3+$0x0], $0xffff  }
.LBB2_15:
0x1a3: {  	s24 =	sshra.s32 s23, $0x2;
	p0 =	sne.s32 s23, $0x3E00;
	s23 =	sadd.s32 $0x200, s23;
	v14 =	vld [tilespmem:s22+$0x1C750];
	v3 =	vadd.f32 v3, v12  }
0x1a4: {  	v1 =	vadd.f32 v1, v8;
	v12 =	vld [tilespmem:s24+$0x18770];
	[tilespmem:s22+$0x1C760] =	vst v13  }
0x1a5: {  	v4 =	vadd.f32 v4, v10;
	v13 =	vld [tilespmem:s24+$0x1C760];
	[tilespmem:s22+$0x1C770] =	vst v3  }
0x1a6: {  	v2 =	vadd.f32 v2, v9;
	v0 =	vadd.f32 v0, v11;
	v10 =	vld [tilespmem:s24+$0x18760];
	[tilespmem:s22+$0x1C720] =	vst v1  }
0x1a7: {  	v1 =	vld [tilespmem:s24+$0x1C720];
	[tilespmem:s22+$0x1C730] =	vst v4;
	v4 =	vadd.f32 v5, v6  }
0x1a8: {  	v3 =	vld [tilespmem:s24+$0x1C770];
	[tilespmem:s22+$0x1C700] =	vst v0;
	v5 =	vadd.f32 v14, v7  }
0x1a9: {  	v0 =	vld [tilespmem:s24+$0x1C700];
	[tilespmem:s22+$0x1C710] =	vst v2  }
0x1aa: {  	v6 =	vld [tilespmem:s24+$0x18720];
	[tilespmem:s22+$0x1C740] =	vst v4  }
0x1ab: {  	v2 =	vld [tilespmem:s24+$0x1C710];
	[tilespmem:s22+$0x1C750] =	vst v5;
	s22 =	smov.u32 s24  }
0x1ac: {  	v4 =	vld [tilespmem:s22+$0x1C730]  }
0x1ad: {  	v7 =	vld [tilespmem:s22+$0x18750]  }
0x1ae: {  	v9 =	vld [tilespmem:s22+$0x18730]  }
0x1af: {  	v11 =	vld [tilespmem:s22+$0x18710]  }
0x1b0: {  	v14 =	vld [tilespmem:s22+$0x18700]  }
0x1b1: {  	v15 =	vld [tilespmem:s22+$0x18740]  }
0x1b2: {  	v8 =	vld.idx.msk [tilespmem:v6+s3+$0x0], $0xffff  }
0x1b3: {  	v16 =	vld.idx.msk [tilespmem:v10+s3+$0x0], $0xffff  }
0x1b4: {  	v5 =	vld [tilespmem:s22+$0x1C740]  }
0x1b5: {  	v12 =	vld.idx.msk [tilespmem:v12+s3+$0x0], $0xffff  }
.Ltmp6:
0x1b6: {  	v10 =	vld.idx.msk [tilespmem:v9+s3+$0x0], $0xffff;
	(pc) =	sbr.rel @p0 .LBB2_15-.Ltmp6, $4  }
0x1b7: {  	v9 =	vld.idx.msk [tilespmem:v11+s3+$0x0], $0xffff  }
0x1b8: {  	v11 =	vld.idx.msk [tilespmem:v14+s3+$0x0], $0xffff  }
0x1b9: {  	v13 =	vadd.f32 v13, v16;
	v6 =	vld.idx.msk [tilespmem:v15+s3+$0x0], $0xffff  }
0x1ba: {  	v7 =	vld.idx.msk [tilespmem:v7+s3+$0x0], $0xffff  }
0x1bb: {  	v3 =	vadd.f32 v3, v12  }
0x1bc: {  	v14 =	vld [tilespmem:s22+$0x1C750];
	v1 =	vadd.f32 v1, v8;
	[tilespmem:s22+$0x1C760] =	vst v13  }
0x1bd: {  	v4 =	vadd.f32 v4, v10;
	[tilespmem:s22+$0x1C770] =	vst v3  }
0x1be: {  	v0 =	vadd.f32 v0, v11;
	[tilespmem:s22+$0x1C720] =	vst v1  }
0x1bf: {  	v1 =	vadd.f32 v2, v9;
	[tilespmem:s22+$0x1C730] =	vst v4  }
0x1c0: {  	v2 =	vadd.f32 v5, v6;
	[tilespmem:s22+$0x1C700] =	vst v0  }
0x1c1: {  	[tilespmem:s22+$0x1C710] =	vst v1;
	v0 =	vadd.f32 v14, v7  }
0x1c2: {  	[tilespmem:s22+$0x1C740] =	vst v2  }
0x1c3: {  	[tilespmem:s22+$0x1C750] =	vst v0  }
0x1c4: {  	_ =	swait.ge [sflag:s18], $0x1000  }
0x1c5: {  	[sflag:s18] =	ssyncset.done $0x0  }
0x1c6: {  	s22 =	simm.s32 $0x0;
	[sflag:s18] =	ssyncadd.s32 $0xFFFFF000  }
0x1c7: {  	v6 =	vld [tilespmem:s22+$0x19770]  }
0x1c8: {  	v7 =	vld [tilespmem:s22+$0x1D760]  }
0x1c9: {  	v5 =	vld [tilespmem:s22+$0x19760]  }
0x1ca: {  	v1 =	vld [tilespmem:s22+$0x1D720]  }
0x1cb: {  	v3 =	vld [tilespmem:s22+$0x1D770]  }
0x1cc: {  	v0 =	vld [tilespmem:s22+$0x1D700]  }
0x1cd: {  	v8 =	vld [tilespmem:s22+$0x19720]  }
0x1ce: {  	v2 =	vld [tilespmem:s22+$0x1D710]  }
0x1cf: {  	v4 =	vld [tilespmem:s22+$0x1D730]  }
0x1d0: {  	v14 =	vld [tilespmem:s22+$0x19750]  }
0x1d1: {  	v9 =	vld [tilespmem:s22+$0x19730]  }
0x1d2: {  	v11 =	vld [tilespmem:s22+$0x19710]  }
0x1d3: {  	v13 =	vld [tilespmem:s22+$0x19700]  }
0x1d4: {  	v15 =	vld [tilespmem:s22+$0x19740]  }
0x1d5: {  	v8 =	vld.idx.msk [tilespmem:v8+s3+$0x0], $0xffff  }
0x1d6: {  	v16 =	vld.idx.msk [tilespmem:v5+s3+$0x0], $0xffff  }
0x1d7: {  	v5 =	vld [tilespmem:s22+$0x1D740]  }
0x1d8: {  	v12 =	vld.idx.msk [tilespmem:v6+s3+$0x0], $0xffff  }
0x1d9: {  	v10 =	vld.idx.msk [tilespmem:v9+s3+$0x0], $0xffff  }
0x1da: {  	v9 =	vld.idx.msk [tilespmem:v11+s3+$0x0], $0xffff  }
0x1db: {  	v11 =	vld.idx.msk [tilespmem:v13+s3+$0x0], $0xffff  }
0x1dc: {  	v6 =	vld.idx.msk [tilespmem:v15+s3+$0x0], $0xffff  }
0x1dd: {  	s23 =	simm.s32 $0x200;
	v13 =	vadd.f32 v7, v16;
	v7 =	vld.idx.msk [tilespmem:v14+s3+$0x0], $0xffff  }
.LBB2_17:
0x1de: {  	s24 =	sshra.s32 s23, $0x2;
	p0 =	sne.s32 s23, $0x3E00;
	s23 =	sadd.s32 $0x200, s23;
	v14 =	vld [tilespmem:s22+$0x1D750];
	v3 =	vadd.f32 v3, v12  }
0x1df: {  	v1 =	vadd.f32 v1, v8;
	v12 =	vld [tilespmem:s24+$0x19770];
	[tilespmem:s22+$0x1D760] =	vst v13  }
0x1e0: {  	v4 =	vadd.f32 v4, v10;
	v13 =	vld [tilespmem:s24+$0x1D760];
	[tilespmem:s22+$0x1D770] =	vst v3  }
0x1e1: {  	v2 =	vadd.f32 v2, v9;
	v0 =	vadd.f32 v0, v11;
	v10 =	vld [tilespmem:s24+$0x19760];
	[tilespmem:s22+$0x1D720] =	vst v1  }
0x1e2: {  	v1 =	vld [tilespmem:s24+$0x1D720];
	[tilespmem:s22+$0x1D730] =	vst v4;
	v4 =	vadd.f32 v5, v6  }
0x1e3: {  	v3 =	vld [tilespmem:s24+$0x1D770];
	[tilespmem:s22+$0x1D700] =	vst v0;
	v5 =	vadd.f32 v14, v7  }
0x1e4: {  	v0 =	vld [tilespmem:s24+$0x1D700];
	[tilespmem:s22+$0x1D710] =	vst v2  }
0x1e5: {  	v6 =	vld [tilespmem:s24+$0x19720];
	[tilespmem:s22+$0x1D740] =	vst v4  }
0x1e6: {  	v2 =	vld [tilespmem:s24+$0x1D710];
	[tilespmem:s22+$0x1D750] =	vst v5;
	s22 =	smov.u32 s24  }
0x1e7: {  	v4 =	vld [tilespmem:s22+$0x1D730]  }
0x1e8: {  	v7 =	vld [tilespmem:s22+$0x19750]  }
0x1e9: {  	v9 =	vld [tilespmem:s22+$0x19730]  }
0x1ea: {  	v11 =	vld [tilespmem:s22+$0x19710]  }
0x1eb: {  	v14 =	vld [tilespmem:s22+$0x19700]  }
0x1ec: {  	v15 =	vld [tilespmem:s22+$0x19740]  }
0x1ed: {  	v8 =	vld.idx.msk [tilespmem:v6+s3+$0x0], $0xffff  }
0x1ee: {  	v16 =	vld.idx.msk [tilespmem:v10+s3+$0x0], $0xffff  }
0x1ef: {  	v5 =	vld [tilespmem:s22+$0x1D740]  }
0x1f0: {  	v12 =	vld.idx.msk [tilespmem:v12+s3+$0x0], $0xffff  }
.Ltmp7:
0x1f1: {  	v10 =	vld.idx.msk [tilespmem:v9+s3+$0x0], $0xffff;
	(pc) =	sbr.rel @p0 .LBB2_17-.Ltmp7, $4  }
0x1f2: {  	v9 =	vld.idx.msk [tilespmem:v11+s3+$0x0], $0xffff  }
0x1f3: {  	v11 =	vld.idx.msk [tilespmem:v14+s3+$0x0], $0xffff  }
0x1f4: {  	v13 =	vadd.f32 v13, v16;
	v6 =	vld.idx.msk [tilespmem:v15+s3+$0x0], $0xffff  }
0x1f5: {  	v7 =	vld.idx.msk [tilespmem:v7+s3+$0x0], $0xffff  }
0x1f6: {  	v3 =	vadd.f32 v3, v12  }
0x1f7: {  	v14 =	vld [tilespmem:s22+$0x1D750];
	v1 =	vadd.f32 v1, v8;
	[tilespmem:s22+$0x1D760] =	vst v13  }
0x1f8: {  	v4 =	vadd.f32 v4, v10;
	s21 =	sadd.s32 $0x1, s21;
	[tilespmem:s22+$0x1D770] =	vst v3  }
0x1f9: {  	v61 =	vadd.f32 v2, v9;
	p0 =	sne.s32 s21, $0x1A;
	[tilespmem:s22+$0x1D720] =	vst v1  }
.Ltmp8:
0x1fa: {  	v0 =	vadd.f32 v0, v11;
	[tilespmem:s22+$0x1D730] =	vst v4;
	(pc) =	sbr.rel @p0 .LBB2_10-.Ltmp8, $4  }
0x1fb: {  	v62 =	vadd.f32 v5, v6;
	[tilespmem:s22+$0x1D710] =	vst v61  }
0x1fc: {  	[tilespmem:s22+$0x1D700] =	vst v0;
	v63 =	vadd.f32 v14, v7  }
0x1fd: {  	[tilespmem:s22+$0x1D740] =	vst v62  }
0x1fe: {  	[tilespmem:s22+$0x1D750] =	vst v63  }
0x1ff: {  	s20 =	sadd.s32 $0x1, s20  }
0x200: {  	p0 =	sne.s32 s20, s11  }
.Ltmp9:
0x201: {  	_ = 	snop;
	(pc) =	sbr.rel @p0 .LBB2_1-.Ltmp9, $4  }
0x202: {  	[hbm4b:s10+s12] =	stream.strided.scatter [tilespmem:s19], [sflag:$0x3], $0x4000, s13, s12, $0x38;
	[tilespmem:$0x1E700] =	vst v63  }
0x203: {  	_ =	swait.ge [sflag:s14], $0x4000  }
0x204: {  	[sflag:s14] =	ssyncset.done $0x0  }
0x205: {  	[sflag:s14] =	ssyncadd.s32 $0xFFFFC000  }
0x206: {  	_ =	sfence.sel $0x180000  }
0x207: {  	[bflag:$0x0] =	sbarrier.arrive $0xFFFF  }
0x208: {  	p0 =	sne.s32 s2, $0x0;
	_ =	strace $0x90000047  }
0x209: {  	s0 =	sadd.s32 @!p0 $0x100000, s0;
	[bflag:$0x2] =	sbarrier.arrive $0xFFFF  }
0x20a: {  	[sflag:s0] =	ssyncadd.tile.s32 @!p0 $0x1;
	_ =	shalt  }
.Lfunc_end2:
_tile_overlayer_lowered:
.L_overlay_start_2:
0x20b: {  	(tag) =	ssettag $0x2  }
0x20c: {  	s0 =	rddreg [dreg:$0x0];
	s2 =	stileid.u32  }
0x20d: {  	s1 =	rddreg [dreg:$0x1];
	p0 =	sne.s32 s2, $0x0  }
0x20e: {  	s3 =	rddreg [dreg:$0x2];
	[bflag:$0x3] =	sbarrier.arrive $0xFFFF;
	s2 =	simm.s32 @!p0 $0x1C03  }
0x20f: {  	[timem:s3], [sflag:s2] =	dma.local @!p0 [hbm:s0], s1  }
0x210: {  	s0 =	simm.s32 @!p0 $0x3  }
0x211: {  	_ =	swait.ge @!p0 [sflag:s0], s1  }
0x212: {  	s1 =	ssub.s32 @!p0 $0x0, s1;
	[sflag:s0] =	ssyncset.done @!p0 $0x0  }
0x213: {  	[sflag:s0] =	ssyncadd.s32 @!p0 s1  }
0x214: {  	[bflag:$0x3] =	sbarrier.arrive $0xFFFF  }
0x215: {  	_ =	shalt  }

</sc_bundles>
